<compile_context>
chip_gen: v7x
topology: tpu7x:2x2x1
jax: 0.10.2.dev20260603
libtpu: 0.0.44.dev20260713+nightly
codegen_flags: <defaults>
</compile_context>

<pallas_src>
import functools

import jax
import jax.numpy as jnp
from jax import lax
from jax.experimental import pallas as pl
from jax.experimental.pallas import tpu as pltpu
from jax.experimental.pallas import tpu_sc as plsc

_EMBED_DIM = 64
_D_MODEL = 2 * _EMBED_DIM
_HIDDEN = 2 * _D_MODEL
_STEPS = 4
_BQ = 1024
_BS = 64

_NUM_IDX = _BQ * 2 + _BS * 2
_GATHER_ROWS = 2304
_NC, _NS = 2, 16
_NW = _NC * _NS
_ROWS_PER_W = _GATHER_ROWS // _NW
_PAIR_ROWS = 50000


def _gather_sc(table, idx):
    mesh = plsc.ScalarSubcoreMesh(axis_name="c", num_cores=_NC)
    per_core = _GATHER_ROWS // _NC

    @functools.partial(
        pl.kernel,
        mesh=mesh,
        out_type=jax.ShapeDtypeStruct((_GATHER_ROWS, _EMBED_DIM), jnp.float32),
        scratch_types=[
            pltpu.SMEM((per_core,), jnp.int32),
            pltpu.SemaphoreType.DMA,
            pltpu.SemaphoreType.DMA,
        ],
        compiler_params=pltpu.CompilerParams(use_tc_tiling_on_sc=True),
    )
    def k(table_hbm, idx_hbm, out_hbm, idx_s, sem_i, sem):
        cid = lax.axis_index("c")
        base = cid * per_core
        pltpu.async_copy(idx_hbm.at[pl.ds(base, per_core)], idx_s,
                         sem_i).wait()

        @pl.loop(0, per_core, unroll=8)
        def _fire(i):
            pltpu.make_async_copy(table_hbm.at[idx_s[i]],
                                  out_hbm.at[base + i], sem).start()

        @pl.loop(0, per_core, unroll=8)
        def _drain(i):
            pltpu.make_async_copy(table_hbm.at[0], out_hbm.at[0], sem).wait()

    return k(table, idx)


def _dot_t(a, b):
    return lax.dot_general(a, b, (((1,), (1,)), ((), ())),
                           preferred_element_type=jnp.float32)


def _dense_body(q_ref, s_ref,
                w1_ref, b1_ref, w2_ref, b2_ref, lng_ref, lnb_ref,
                wih_ref, whh_ref, bih_ref, bhh_ref, out_ref):
    q = q_ref[...]
    s = s_ref[...]

    hid = jnp.maximum(_dot_t(s, w1_ref[...]) + b1_ref[...], 0.0)
    y = _dot_t(hid, w2_ref[...]) + b2_ref[...] + s
    mu = jnp.mean(y, axis=-1, keepdims=True)
    var = jnp.mean((y - mu) * (y - mu), axis=-1, keepdims=True)
    sg = lng_ref[...] * (y - mu) * lax.rsqrt(var + 1e-5) + lnb_ref[...]

    xg = _dot_t(q, wih_ref[...]) + bih_ref[...] + bhh_ref[...]
    h_r = jnp.zeros((_BQ, _HIDDEN), jnp.float32)
    c = jnp.zeros((_BQ, _HIDDEN), jnp.float32)
    h = q
    for _ in range(_STEPS):
        gates = xg + _dot_t(h_r, whh_ref[...])
        i_g = jax.nn.sigmoid(gates[:, :_HIDDEN])
        f_g = jax.nn.sigmoid(gates[:, _HIDDEN:2 * _HIDDEN])
        g_g = jnp.tanh(gates[:, 2 * _HIDDEN:3 * _HIDDEN])
        o_g = jax.nn.sigmoid(gates[:, 3 * _HIDDEN:])
        c = f_g * c + i_g * g_g
        h_full = o_g * jnp.tanh(c)
        h = q + h_full[:, :_D_MODEL]
        logits = _dot_t(h, sg)
        m = jnp.max(logits, axis=1, keepdims=True)
        e = jnp.exp(logits - m)
        attn = e / jnp.sum(e, axis=1, keepdims=True)
        r = jnp.dot(attn, sg, preferred_element_type=jnp.float32)
        h_r = jnp.concatenate([h, r], axis=1)

    out_ref[...] = _dot_t(h, sg)


def _dense_call(interpret=False):
    return pl.pallas_call(
        _dense_body,
        out_shape=jax.ShapeDtypeStruct((_BQ, _BS), jnp.float32),
        interpret=interpret,
    )


def kernel(query, support, symbol_emb, W1, b1, W2, b2, ln_g, ln_b,
           W_ih, W_hh, b_ih, b_hh):
    idx = jnp.concatenate([
        query.reshape(-1).astype(jnp.int32),
        support.reshape(-1).astype(jnp.int32),
        jnp.zeros((_GATHER_ROWS - _NUM_IDX,), jnp.int32),
    ])
    rows = _gather_sc(symbol_emb, idx)
    q = rows[:_BQ * 2].reshape(_BQ, _D_MODEL)
    s = rows[_BQ * 2:_NUM_IDX].reshape(_BS, _D_MODEL)

    return _dense_call()(
        q, s,
        W1, b1.reshape(1, -1), W2, b2.reshape(1, -1),
        ln_g.reshape(1, -1), ln_b.reshape(1, -1), W_ih, W_hh,
        b_ih.reshape(1, -1), b_hh.reshape(1, -1))

# --- scband reference (transcript-rebuilt; emitter-appended) ---
"""Pipeline reference for scband-embed-matcher-33938831573494 (READ-ONLY COPY).

The authoritative reference and input builder live on the scoring server;
editing this copy changes nothing except your own understanding.
"""

import jax, jax.numpy as jnp
import numpy as np

EMBED_DIM = 64
NUM_SYMBOLS = 100000
D_MODEL = 2 * EMBED_DIM
D_INNER = 2 * D_MODEL
HIDDEN = 2 * D_MODEL
PROCESS_STEPS = 4
BQ = 1024
BS = 64


def setup_inputs(seed: int = 0):
    key = jax.random.key(seed)
    ks = jax.random.split(key, 8)
    query = jax.random.randint(ks[0], (BQ, 2), 0, NUM_SYMBOLS)
    support = jax.random.randint(ks[1], (BS, 2), 0, NUM_SYMBOLS)
    symbol_emb = jax.random.normal(ks[2], (NUM_SYMBOLS + 1, EMBED_DIM), dtype=jnp.float32) * 0.02
    W1 = jax.random.normal(ks[3], (D_INNER, D_MODEL), dtype=jnp.float32) * (1.0 / np.sqrt(D_MODEL))
    b1 = jnp.zeros((D_INNER,), jnp.float32)
    W2 = jax.random.normal(ks[4], (D_MODEL, D_INNER), dtype=jnp.float32) * (1.0 / np.sqrt(D_INNER))
    b2 = jnp.zeros((D_MODEL,), jnp.float32)
    ln_g = jnp.ones((D_MODEL,), jnp.float32)
    ln_b = jnp.zeros((D_MODEL,), jnp.float32)
    W_ih = jax.random.normal(ks[5], (4 * HIDDEN, D_MODEL), dtype=jnp.float32) * (1.0 / np.sqrt(D_MODEL))
    W_hh = jax.random.normal(ks[6], (4 * HIDDEN, HIDDEN), dtype=jnp.float32) * (1.0 / np.sqrt(HIDDEN))
    b_ih = jnp.zeros((4 * HIDDEN,), jnp.float32)
    b_hh = jnp.zeros((4 * HIDDEN,), jnp.float32)
    return {"query": query, "support": support, "symbol_emb": symbol_emb, "W1": W1, "b1": b1, "W2": W2, "b2": b2, "ln_g": ln_g, "ln_b": ln_b, "W_ih": W_ih, "W_hh": W_hh, "b_ih": b_ih, "b_hh": b_hh}


def _support_encoder(x, W1, b1, W2, b2, ln_g, ln_b):
    # position-wise FFN with residual + LayerNorm (GMatching SupportEncoder); dropout = identity (eval)
    residual = x
    h = jax.nn.relu(x @ W1.T + b1)
    out = h @ W2.T + b2
    y = out + residual
    mu = jnp.mean(y, axis=-1, keepdims=True)
    var = jnp.var(y, axis=-1, keepdims=True)
    return ln_g * (y - mu) / jnp.sqrt(var + 1e-5) + ln_b


def _lstm_cell(x, h, c, W_ih, W_hh, b_ih, b_hh):
    gates = x @ W_ih.T + b_ih + h @ W_hh.T + b_hh
    i, f, g, o = jnp.split(gates, 4, axis=-1)
    i = jax.nn.sigmoid(i)
    f = jax.nn.sigmoid(f)
    g = jnp.tanh(g)
    o = jax.nn.sigmoid(o)
    c_new = f * c + i * g
    h_new = o * jnp.tanh(c_new)
    return h_new, c_new


def _query_encoder(support, query, W_ih, W_hh, b_ih, b_hh):
    # GMatching process-block QueryEncoder: LSTM cell with attention over support
    B, d = query.shape
    h_r = jnp.zeros((B, 2 * d), jnp.float32)
    c = jnp.zeros((B, 2 * d), jnp.float32)
    h = query
    for _ in range(PROCESS_STEPS):
        h_, c = _lstm_cell(query, h_r, c, W_ih, W_hh, b_ih, b_hh)
        h = query + h_[:, :d]
        attn = jax.nn.softmax(h @ support.T, axis=1)
        r = attn @ support
        h_r = jnp.concatenate([h, r], axis=1)
    return h


def reference(query, support, symbol_emb, W1, b1, W2, b2, ln_g, ln_b, W_ih, W_hh, b_ih, b_hh):
    # meta=None branch of EmbedMatcher.forward; dropout = identity (eval mode)
    s = jnp.take(symbol_emb, support, axis=0).reshape(-1, D_MODEL)
    q = jnp.take(symbol_emb, query, axis=0).reshape(-1, D_MODEL)
    support_g = _support_encoder(s, W1, b1, W2, b2, ln_g, ln_b)
    query_f = _query_encoder(support_g, q, W_ih, W_hh, b_ih, b_hh)
    scores = query_f @ support_g.T
    return scores

if __name__ == "__main__":
    import jax
    _d = setup_inputs()
    print(jax.jit(kernel)(*tuple(_d.values())))

</pallas_src>

<mosaic_0001>
#map = affine_map<(d0) -> (0, 0)>
#map1 = affine_map<(d0) -> (0)>
module attributes {stable_mosaic.version = 14 : i64} {
  func.func @k(%arg0: i32, %arg1: memref<100001x64xf32, #tpu.memory_space<hbm>>, %arg2: memref<2304xi32, #tpu.memory_space<hbm>>, %arg3: memref<2304x64xf32, #tpu.memory_space<hbm>>, %arg4: memref<1152xi32, #tpu.memory_space<smem>>, %arg5: memref<!tpu.dma_semaphore, #tpu.memory_space<semaphore_mem>>, %arg6: memref<!tpu.dma_semaphore, #tpu.memory_space<semaphore_mem>>) attributes {dimension_semantics = [#tpu.dimension_semantics<core_parallel>], iteration_bounds = array<i64: 2>, scalar_prefetch = 0 : i64, scratch_operands = 3 : i64, tpu.core_type = #tpu.core_type<sc_scalar_subcore>, window_params = [{transform_indices = #map}, {transform_indices = #map1}, {transform_indices = #map}]} {
    %mul3A = arith.constant 1152 : i32
    %mul3A_0 = arith.muli %arg0, %mul3A : i32
    %dma_start3A = tpu.memref_slice %arg2[%mul3A_0] : memref<2304xi32, #tpu.memory_space<hbm>> -> memref<1152xi32, #tpu.memory_space<hbm>>
    tpu.enqueue_dma source(%dma_start3A : memref<1152xi32, #tpu.memory_space<hbm>>) target(%arg4 : memref<1152xi32, #tpu.memory_space<smem>>) target_semaphore(%arg5 : memref<!tpu.dma_semaphore, #tpu.memory_space<semaphore_mem>>)
    %dma_wait3A = tpu.memref_slice %arg2[%mul3A_0] : memref<2304xi32, #tpu.memory_space<hbm>> -> memref<1152xi32, #tpu.memory_space<hbm>>
    tpu.wait_dma2 semaphore(%arg5 : memref<!tpu.dma_semaphore, #tpu.memory_space<semaphore_mem>>) src(%dma_wait3A : memref<1152xi32, #tpu.memory_space<hbm>>) dst(%arg4 : memref<1152xi32, #tpu.memory_space<smem>>)
    %scan3A = arith.constant 0 : i32
    %scan3A_1 = arith.constant 1152 : i32
    %scan3A_2 = arith.addi %scan3A, %scan3A_1 : i32
    %scan3A_3 = arith.constant 8 : i32
    scf.for %scan3A_10 = %scan3A to %scan3A_2 step %scan3A_3  : i32 {
      %mul3A_11 = arith.constant 1 : i32
      %mul3A_12 = arith.muli %scan3A_10, %mul3A_11 : i32
      %add3A = arith.constant 0 : i32
      %add3A_13 = arith.addi %add3A, %mul3A_12 : i32
      %get3A = arith.index_cast %add3A_13 : i32 to index
      %get3A_14 = memref.load %arg4[%get3A] : memref<1152xi32, #tpu.memory_space<smem>>
      %add3A_15 = arith.addi %mul3A_0, %add3A_13 : i32
      %dma_start3A_16 = arith.constant 0 : i32
      %dma_start3A_17 = tpu.memref_slice %arg3[%add3A_15, %dma_start3A_16] : memref<2304x64xf32, #tpu.memory_space<hbm>> -> memref<1x64xf32, #tpu.memory_space<hbm>>
      %dma_start3A_18 = tpu.memref_squeeze %dma_start3A_17 : memref<1x64xf32, #tpu.memory_space<hbm>> -> memref<64xf32, #tpu.memory_space<hbm>>
      %dma_start3A_19 = arith.constant 0 : i32
      %dma_start3A_20 = tpu.memref_slice %arg1[%get3A_14, %dma_start3A_19] : memref<100001x64xf32, #tpu.memory_space<hbm>> -> memref<1x64xf32, #tpu.memory_space<hbm>>
      %dma_start3A_21 = tpu.memref_squeeze %dma_start3A_20 : memref<1x64xf32, #tpu.memory_space<hbm>> -> memref<64xf32, #tpu.memory_space<hbm>>
      tpu.enqueue_dma source(%dma_start3A_21 : memref<64xf32, #tpu.memory_space<hbm>>) target(%dma_start3A_18 : memref<64xf32, #tpu.memory_space<hbm>>) target_semaphore(%arg6 : memref<!tpu.dma_semaphore, #tpu.memory_space<semaphore_mem>>)
      %scan3A_22 = arith.constant 1 : i32
      %scan3A_23 = arith.addi %scan3A_10, %scan3A_22 : i32
      %mul3A_24 = arith.constant 1 : i32
      %mul3A_25 = arith.muli %scan3A_23, %mul3A_24 : i32
      %add3A_26 = arith.constant 0 : i32
      %add3A_27 = arith.addi %add3A_26, %mul3A_25 : i32
      %get3A_28 = arith.index_cast %add3A_27 : i32 to index
      %get3A_29 = memref.load %arg4[%get3A_28] : memref<1152xi32, #tpu.memory_space<smem>>
      %add3A_30 = arith.addi %mul3A_0, %add3A_27 : i32
      %dma_start3A_31 = arith.constant 0 : i32
      %dma_start3A_32 = tpu.memref_slice %arg3[%add3A_30, %dma_start3A_31] : memref<2304x64xf32, #tpu.memory_space<hbm>> -> memref<1x64xf32, #tpu.memory_space<hbm>>
      %dma_start3A_33 = tpu.memref_squeeze %dma_start3A_32 : memref<1x64xf32, #tpu.memory_space<hbm>> -> memref<64xf32, #tpu.memory_space<hbm>>
      %dma_start3A_34 = arith.constant 0 : i32
      %dma_start3A_35 = tpu.memref_slice %arg1[%get3A_29, %dma_start3A_34] : memref<100001x64xf32, #tpu.memory_space<hbm>> -> memref<1x64xf32, #tpu.memory_space<hbm>>
      %dma_start3A_36 = tpu.memref_squeeze %dma_start3A_35 : memref<1x64xf32, #tpu.memory_space<hbm>> -> memref<64xf32, #tpu.memory_space<hbm>>
      tpu.enqueue_dma source(%dma_start3A_36 : memref<64xf32, #tpu.memory_space<hbm>>) target(%dma_start3A_33 : memref<64xf32, #tpu.memory_space<hbm>>) target_semaphore(%arg6 : memref<!tpu.dma_semaphore, #tpu.memory_space<semaphore_mem>>)
      %scan3A_37 = arith.constant 2 : i32
      %scan3A_38 = arith.addi %scan3A_10, %scan3A_37 : i32
      %mul3A_39 = arith.constant 1 : i32
      %mul3A_40 = arith.muli %scan3A_38, %mul3A_39 : i32
      %add3A_41 = arith.constant 0 : i32
      %add3A_42 = arith.addi %add3A_41, %mul3A_40 : i32
      %get3A_43 = arith.index_cast %add3A_42 : i32 to index
      %get3A_44 = memref.load %arg4[%get3A_43] : memref<1152xi32, #tpu.memory_space<smem>>
      %add3A_45 = arith.addi %mul3A_0, %add3A_42 : i32
      %dma_start3A_46 = arith.constant 0 : i32
      %dma_start3A_47 = tpu.memref_slice %arg3[%add3A_45, %dma_start3A_46] : memref<2304x64xf32, #tpu.memory_space<hbm>> -> memref<1x64xf32, #tpu.memory_space<hbm>>
      %dma_start3A_48 = tpu.memref_squeeze %dma_start3A_47 : memref<1x64xf32, #tpu.memory_space<hbm>> -> memref<64xf32, #tpu.memory_space<hbm>>
      %dma_start3A_49 = arith.constant 0 : i32
      %dma_start3A_50 = tpu.memref_slice %arg1[%get3A_44, %dma_start3A_49] : memref<100001x64xf32, #tpu.memory_space<hbm>> -> memref<1x64xf32, #tpu.memory_space<hbm>>
      %dma_start3A_51 = tpu.memref_squeeze %dma_start3A_50 : memref<1x64xf32, #tpu.memory_space<hbm>> -> memref<64xf32, #tpu.memory_space<hbm>>
      tpu.enqueue_dma source(%dma_start3A_51 : memref<64xf32, #tpu.memory_space<hbm>>) target(%dma_start3A_48 : memref<64xf32, #tpu.memory_space<hbm>>) target_semaphore(%arg6 : memref<!tpu.dma_semaphore, #tpu.memory_space<semaphore_mem>>)
      %scan3A_52 = arith.constant 3 : i32
      %scan3A_53 = arith.addi %scan3A_10, %scan3A_52 : i32
      %mul3A_54 = arith.constant 1 : i32
      %mul3A_55 = arith.muli %scan3A_53, %mul3A_54 : i32
      %add3A_56 = arith.constant 0 : i32
      %add3A_57 = arith.addi %add3A_56, %mul3A_55 : i32
      %get3A_58 = arith.index_cast %add3A_57 : i32 to index
      %get3A_59 = memref.load %arg4[%get3A_58] : memref<1152xi32, #tpu.memory_space<smem>>
      %add3A_60 = arith.addi %mul3A_0, %add3A_57 : i32
      %dma_start3A_61 = arith.constant 0 : i32
      %dma_start3A_62 = tpu.memref_slice %arg3[%add3A_60, %dma_start3A_61] : memref<2304x64xf32, #tpu.memory_space<hbm>> -> memref<1x64xf32, #tpu.memory_space<hbm>>
      %dma_start3A_63 = tpu.memref_squeeze %dma_start3A_62 : memref<1x64xf32, #tpu.memory_space<hbm>> -> memref<64xf32, #tpu.memory_space<hbm>>
      %dma_start3A_64 = arith.constant 0 : i32
      %dma_start3A_65 = tpu.memref_slice %arg1[%get3A_59, %dma_start3A_64] : memref<100001x64xf32, #tpu.memory_space<hbm>> -> memref<1x64xf32, #tpu.memory_space<hbm>>
      %dma_start3A_66 = tpu.memref_squeeze %dma_start3A_65 : memref<1x64xf32, #tpu.memory_space<hbm>> -> memref<64xf32, #tpu.memory_space<hbm>>
      tpu.enqueue_dma source(%dma_start3A_66 : memref<64xf32, #tpu.memory_space<hbm>>) target(%dma_start3A_63 : memref<64xf32, #tpu.memory_space<hbm>>) target_semaphore(%arg6 : memref<!tpu.dma_semaphore, #tpu.memory_space<semaphore_mem>>)
      %scan3A_67 = arith.constant 4 : i32
      %scan3A_68 = arith.addi %scan3A_10, %scan3A_67 : i32
      %mul3A_69 = arith.constant 1 : i32
      %mul3A_70 = arith.muli %scan3A_68, %mul3A_69 : i32
      %add3A_71 = arith.constant 0 : i32
      %add3A_72 = arith.addi %add3A_71, %mul3A_70 : i32
      %get3A_73 = arith.index_cast %add3A_72 : i32 to index
      %get3A_74 = memref.load %arg4[%get3A_73] : memref<1152xi32, #tpu.memory_space<smem>>
      %add3A_75 = arith.addi %mul3A_0, %add3A_72 : i32
      %dma_start3A_76 = arith.constant 0 : i32
      %dma_start3A_77 = tpu.memref_slice %arg3[%add3A_75, %dma_start3A_76] : memref<2304x64xf32, #tpu.memory_space<hbm>> -> memref<1x64xf32, #tpu.memory_space<hbm>>
      %dma_start3A_78 = tpu.memref_squeeze %dma_start3A_77 : memref<1x64xf32, #tpu.memory_space<hbm>> -> memref<64xf32, #tpu.memory_space<hbm>>
      %dma_start3A_79 = arith.constant 0 : i32
      %dma_start3A_80 = tpu.memref_slice %arg1[%get3A_74, %dma_start3A_79] : memref<100001x64xf32, #tpu.memory_space<hbm>> -> memref<1x64xf32, #tpu.memory_space<hbm>>
      %dma_start3A_81 = tpu.memref_squeeze %dma_start3A_80 : memref<1x64xf32, #tpu.memory_space<hbm>> -> memref<64xf32, #tpu.memory_space<hbm>>
      tpu.enqueue_dma source(%dma_start3A_81 : memref<64xf32, #tpu.memory_space<hbm>>) target(%dma_start3A_78 : memref<64xf32, #tpu.memory_space<hbm>>) target_semaphore(%arg6 : memref<!tpu.dma_semaphore, #tpu.memory_space<semaphore_mem>>)
      %scan3A_82 = arith.constant 5 : i32
      %scan3A_83 = arith.addi %scan3A_10, %scan3A_82 : i32
      %mul3A_84 = arith.constant 1 : i32
      %mul3A_85 = arith.muli %scan3A_83, %mul3A_84 : i32
      %add3A_86 = arith.constant 0 : i32
      %add3A_87 = arith.addi %add3A_86, %mul3A_85 : i32
      %get3A_88 = arith.index_cast %add3A_87 : i32 to index
      %get3A_89 = memref.load %arg4[%get3A_88] : memref<1152xi32, #tpu.memory_space<smem>>
      %add3A_90 = arith.addi %mul3A_0, %add3A_87 : i32
      %dma_start3A_91 = arith.constant 0 : i32
      %dma_start3A_92 = tpu.memref_slice %arg3[%add3A_90, %dma_start3A_91] : memref<2304x64xf32, #tpu.memory_space<hbm>> -> memref<1x64xf32, #tpu.memory_space<hbm>>
      %dma_start3A_93 = tpu.memref_squeeze %dma_start3A_92 : memref<1x64xf32, #tpu.memory_space<hbm>> -> memref<64xf32, #tpu.memory_space<hbm>>
      %dma_start3A_94 = arith.constant 0 : i32
      %dma_start3A_95 = tpu.memref_slice %arg1[%get3A_89, %dma_start3A_94] : memref<100001x64xf32, #tpu.memory_space<hbm>> -> memref<1x64xf32, #tpu.memory_space<hbm>>
      %dma_start3A_96 = tpu.memref_squeeze %dma_start3A_95 : memref<1x64xf32, #tpu.memory_space<hbm>> -> memref<64xf32, #tpu.memory_space<hbm>>
      tpu.enqueue_dma source(%dma_start3A_96 : memref<64xf32, #tpu.memory_space<hbm>>) target(%dma_start3A_93 : memref<64xf32, #tpu.memory_space<hbm>>) target_semaphore(%arg6 : memref<!tpu.dma_semaphore, #tpu.memory_space<semaphore_mem>>)
      %scan3A_97 = arith.constant 6 : i32
      %scan3A_98 = arith.addi %scan3A_10, %scan3A_97 : i32
      %mul3A_99 = arith.constant 1 : i32
      %mul3A_100 = arith.muli %scan3A_98, %mul3A_99 : i32
      %add3A_101 = arith.constant 0 : i32
      %add3A_102 = arith.addi %add3A_101, %mul3A_100 : i32
      %get3A_103 = arith.index_cast %add3A_102 : i32 to index
      %get3A_104 = memref.load %arg4[%get3A_103] : memref<1152xi32, #tpu.memory_space<smem>>
      %add3A_105 = arith.addi %mul3A_0, %add3A_102 : i32
      %dma_start3A_106 = arith.constant 0 : i32
      %dma_start3A_107 = tpu.memref_slice %arg3[%add3A_105, %dma_start3A_106] : memref<2304x64xf32, #tpu.memory_space<hbm>> -> memref<1x64xf32, #tpu.memory_space<hbm>>
      %dma_start3A_108 = tpu.memref_squeeze %dma_start3A_107 : memref<1x64xf32, #tpu.memory_space<hbm>> -> memref<64xf32, #tpu.memory_space<hbm>>
      %dma_start3A_109 = arith.constant 0 : i32
      %dma_start3A_110 = tpu.memref_slice %arg1[%get3A_104, %dma_start3A_109] : memref<100001x64xf32, #tpu.memory_space<hbm>> -> memref<1x64xf32, #tpu.memory_space<hbm>>
      %dma_start3A_111 = tpu.memref_squeeze %dma_start3A_110 : memref<1x64xf32, #tpu.memory_space<hbm>> -> memref<64xf32, #tpu.memory_space<hbm>>
      tpu.enqueue_dma source(%dma_start3A_111 : memref<64xf32, #tpu.memory_space<hbm>>) target(%dma_start3A_108 : memref<64xf32, #tpu.memory_space<hbm>>) target_semaphore(%arg6 : memref<!tpu.dma_semaphore, #tpu.memory_space<semaphore_mem>>)
      %scan3A_112 = arith.constant 7 : i32
      %scan3A_113 = arith.addi %scan3A_10, %scan3A_112 : i32
      %mul3A_114 = arith.constant 1 : i32
      %mul3A_115 = arith.muli %scan3A_113, %mul3A_114 : i32
      %add3A_116 = arith.constant 0 : i32
      %add3A_117 = arith.addi %add3A_116, %mul3A_115 : i32
      %get3A_118 = arith.index_cast %add3A_117 : i32 to index
      %get3A_119 = memref.load %arg4[%get3A_118] : memref<1152xi32, #tpu.memory_space<smem>>
      %add3A_120 = arith.addi %mul3A_0, %add3A_117 : i32
      %dma_start3A_121 = arith.constant 0 : i32
      %dma_start3A_122 = tpu.memref_slice %arg3[%add3A_120, %dma_start3A_121] : memref<2304x64xf32, #tpu.memory_space<hbm>> -> memref<1x64xf32, #tpu.memory_space<hbm>>
      %dma_start3A_123 = tpu.memref_squeeze %dma_start3A_122 : memref<1x64xf32, #tpu.memory_space<hbm>> -> memref<64xf32, #tpu.memory_space<hbm>>
      %dma_start3A_124 = arith.constant 0 : i32
      %dma_start3A_125 = tpu.memref_slice %arg1[%get3A_119, %dma_start3A_124] : memref<100001x64xf32, #tpu.memory_space<hbm>> -> memref<1x64xf32, #tpu.memory_space<hbm>>
      %dma_start3A_126 = tpu.memref_squeeze %dma_start3A_125 : memref<1x64xf32, #tpu.memory_space<hbm>> -> memref<64xf32, #tpu.memory_space<hbm>>
      tpu.enqueue_dma source(%dma_start3A_126 : memref<64xf32, #tpu.memory_space<hbm>>) target(%dma_start3A_123 : memref<64xf32, #tpu.memory_space<hbm>>) target_semaphore(%arg6 : memref<!tpu.dma_semaphore, #tpu.memory_space<semaphore_mem>>)
    }
    %scan3A_4 = arith.constant 1152 : i32
    %scan3A_5 = arith.constant 0 : i32
    %scan3A_6 = arith.constant 1152 : i32
    %scan3A_7 = arith.addi %scan3A_5, %scan3A_6 : i32
    %scan3A_8 = arith.constant 8 : i32
    scf.for %scan3A_10 = %scan3A_5 to %scan3A_7 step %scan3A_8  : i32 {
      %mul3A_11 = arith.constant 1 : i32
      %mul3A_12 = arith.muli %scan3A_10, %mul3A_11 : i32
      %add3A = arith.constant 0 : i32
      %add3A_13 = arith.addi %add3A, %mul3A_12 : i32
      %dma_wait3A_14 = arith.constant 0 : i32
      %dma_wait3A_15 = arith.constant 0 : i32
      %dma_wait3A_16 = arith.constant 0 : i32
      %dma_wait3A_17 = tpu.memref_slice %arg3[%dma_wait3A_15, %dma_wait3A_16] : memref<2304x64xf32, #tpu.memory_space<hbm>> -> memref<1x64xf32, #tpu.memory_space<hbm>>
      %dma_wait3A_18 = tpu.memref_squeeze %dma_wait3A_17 : memref<1x64xf32, #tpu.memory_space<hbm>> -> memref<64xf32, #tpu.memory_space<hbm>>
      %dma_wait3A_19 = arith.constant 0 : i32
      %dma_wait3A_20 = tpu.memref_slice %arg1[%dma_wait3A_14, %dma_wait3A_19] : memref<100001x64xf32, #tpu.memory_space<hbm>> -> memref<1x64xf32, #tpu.memory_space<hbm>>
      %dma_wait3A_21 = tpu.memref_squeeze %dma_wait3A_20 : memref<1x64xf32, #tpu.memory_space<hbm>> -> memref<64xf32, #tpu.memory_space<hbm>>
      tpu.wait_dma2 semaphore(%arg6 : memref<!tpu.dma_semaphore, #tpu.memory_space<semaphore_mem>>) src(%dma_wait3A_21 : memref<64xf32, #tpu.memory_space<hbm>>) dst(%dma_wait3A_18 : memref<64xf32, #tpu.memory_space<hbm>>)
      %scan3A_22 = arith.constant 1 : i32
      %scan3A_23 = arith.addi %scan3A_10, %scan3A_22 : i32
      %mul3A_24 = arith.constant 1 : i32
      %mul3A_25 = arith.muli %scan3A_23, %mul3A_24 : i32
      %add3A_26 = arith.constant 0 : i32
      %add3A_27 = arith.addi %add3A_26, %mul3A_25 : i32
      %dma_wait3A_28 = arith.constant 0 : i32
      %dma_wait3A_29 = arith.constant 0 : i32
      %dma_wait3A_30 = arith.constant 0 : i32
      %dma_wait3A_31 = tpu.memref_slice %arg3[%dma_wait3A_29, %dma_wait3A_30] : memref<2304x64xf32, #tpu.memory_space<hbm>> -> memref<1x64xf32, #tpu.memory_space<hbm>>
      %dma_wait3A_32 = tpu.memref_squeeze %dma_wait3A_31 : memref<1x64xf32, #tpu.memory_space<hbm>> -> memref<64xf32, #tpu.memory_space<hbm>>
      %dma_wait3A_33 = arith.constant 0 : i32
      %dma_wait3A_34 = tpu.memref_slice %arg1[%dma_wait3A_28, %dma_wait3A_33] : memref<100001x64xf32, #tpu.memory_space<hbm>> -> memref<1x64xf32, #tpu.memory_space<hbm>>
      %dma_wait3A_35 = tpu.memref_squeeze %dma_wait3A_34 : memref<1x64xf32, #tpu.memory_space<hbm>> -> memref<64xf32, #tpu.memory_space<hbm>>
      tpu.wait_dma2 semaphore(%arg6 : memref<!tpu.dma_semaphore, #tpu.memory_space<semaphore_mem>>) src(%dma_wait3A_35 : memref<64xf32, #tpu.memory_space<hbm>>) dst(%dma_wait3A_32 : memref<64xf32, #tpu.memory_space<hbm>>)
      %scan3A_36 = arith.constant 2 : i32
      %scan3A_37 = arith.addi %scan3A_10, %scan3A_36 : i32
      %mul3A_38 = arith.constant 1 : i32
      %mul3A_39 = arith.muli %scan3A_37, %mul3A_38 : i32
      %add3A_40 = arith.constant 0 : i32
      %add3A_41 = arith.addi %add3A_40, %mul3A_39 : i32
      %dma_wait3A_42 = arith.constant 0 : i32
      %dma_wait3A_43 = arith.constant 0 : i32
      %dma_wait3A_44 = arith.constant 0 : i32
      %dma_wait3A_45 = tpu.memref_slice %arg3[%dma_wait3A_43, %dma_wait3A_44] : memref<2304x64xf32, #tpu.memory_space<hbm>> -> memref<1x64xf32, #tpu.memory_space<hbm>>
      %dma_wait3A_46 = tpu.memref_squeeze %dma_wait3A_45 : memref<1x64xf32, #tpu.memory_space<hbm>> -> memref<64xf32, #tpu.memory_space<hbm>>
      %dma_wait3A_47 = arith.constant 0 : i32
      %dma_wait3A_48 = tpu.memref_slice %arg1[%dma_wait3A_42, %dma_wait3A_47] : memref<100001x64xf32, #tpu.memory_space<hbm>> -> memref<1x64xf32, #tpu.memory_space<hbm>>
      %dma_wait3A_49 = tpu.memref_squeeze %dma_wait3A_48 : memref<1x64xf32, #tpu.memory_space<hbm>> -> memref<64xf32, #tpu.memory_space<hbm>>
      tpu.wait_dma2 semaphore(%arg6 : memref<!tpu.dma_semaphore, #tpu.memory_space<semaphore_mem>>) src(%dma_wait3A_49 : memref<64xf32, #tpu.memory_space<hbm>>) dst(%dma_wait3A_46 : memref<64xf32, #tpu.memory_space<hbm>>)
      %scan3A_50 = arith.constant 3 : i32
      %scan3A_51 = arith.addi %scan3A_10, %scan3A_50 : i32
      %mul3A_52 = arith.constant 1 : i32
      %mul3A_53 = arith.muli %scan3A_51, %mul3A_52 : i32
      %add3A_54 = arith.constant 0 : i32
      %add3A_55 = arith.addi %add3A_54, %mul3A_53 : i32
      %dma_wait3A_56 = arith.constant 0 : i32
      %dma_wait3A_57 = arith.constant 0 : i32
      %dma_wait3A_58 = arith.constant 0 : i32
      %dma_wait3A_59 = tpu.memref_slice %arg3[%dma_wait3A_57, %dma_wait3A_58] : memref<2304x64xf32, #tpu.memory_space<hbm>> -> memref<1x64xf32, #tpu.memory_space<hbm>>
      %dma_wait3A_60 = tpu.memref_squeeze %dma_wait3A_59 : memref<1x64xf32, #tpu.memory_space<hbm>> -> memref<64xf32, #tpu.memory_space<hbm>>
      %dma_wait3A_61 = arith.constant 0 : i32
      %dma_wait3A_62 = tpu.memref_slice %arg1[%dma_wait3A_56, %dma_wait3A_61] : memref<100001x64xf32, #tpu.memory_space<hbm>> -> memref<1x64xf32, #tpu.memory_space<hbm>>
      %dma_wait3A_63 = tpu.memref_squeeze %dma_wait3A_62 : memref<1x64xf32, #tpu.memory_space<hbm>> -> memref<64xf32, #tpu.memory_space<hbm>>
      tpu.wait_dma2 semaphore(%arg6 : memref<!tpu.dma_semaphore, #tpu.memory_space<semaphore_mem>>) src(%dma_wait3A_63 : memref<64xf32, #tpu.memory_space<hbm>>) dst(%dma_wait3A_60 : memref<64xf32, #tpu.memory_space<hbm>>)
      %scan3A_64 = arith.constant 4 : i32
      %scan3A_65 = arith.addi %scan3A_10, %scan3A_64 : i32
      %mul3A_66 = arith.constant 1 : i32
      %mul3A_67 = arith.muli %scan3A_65, %mul3A_66 : i32
      %add3A_68 = arith.constant 0 : i32
      %add3A_69 = arith.addi %add3A_68, %mul3A_67 : i32
      %dma_wait3A_70 = arith.constant 0 : i32
      %dma_wait3A_71 = arith.constant 0 : i32
      %dma_wait3A_72 = arith.constant 0 : i32
      %dma_wait3A_73 = tpu.memref_slice %arg3[%dma_wait3A_71, %dma_wait3A_72] : memref<2304x64xf32, #tpu.memory_space<hbm>> -> memref<1x64xf32, #tpu.memory_space<hbm>>
      %dma_wait3A_74 = tpu.memref_squeeze %dma_wait3A_73 : memref<1x64xf32, #tpu.memory_space<hbm>> -> memref<64xf32, #tpu.memory_space<hbm>>
      %dma_wait3A_75 = arith.constant 0 : i32
      %dma_wait3A_76 = tpu.memref_slice %arg1[%dma_wait3A_70, %dma_wait3A_75] : memref<100001x64xf32, #tpu.memory_space<hbm>> -> memref<1x64xf32, #tpu.memory_space<hbm>>
      %dma_wait3A_77 = tpu.memref_squeeze %dma_wait3A_76 : memref<1x64xf32, #tpu.memory_space<hbm>> -> memref<64xf32, #tpu.memory_space<hbm>>
      tpu.wait_dma2 semaphore(%arg6 : memref<!tpu.dma_semaphore, #tpu.memory_space<semaphore_mem>>) src(%dma_wait3A_77 : memref<64xf32, #tpu.memory_space<hbm>>) dst(%dma_wait3A_74 : memref<64xf32, #tpu.memory_space<hbm>>)
      %scan3A_78 = arith.constant 5 : i32
      %scan3A_79 = arith.addi %scan3A_10, %scan3A_78 : i32
      %mul3A_80 = arith.constant 1 : i32
      %mul3A_81 = arith.muli %scan3A_79, %mul3A_80 : i32
      %add3A_82 = arith.constant 0 : i32
      %add3A_83 = arith.addi %add3A_82, %mul3A_81 : i32
      %dma_wait3A_84 = arith.constant 0 : i32
      %dma_wait3A_85 = arith.constant 0 : i32
      %dma_wait3A_86 = arith.constant 0 : i32
      %dma_wait3A_87 = tpu.memref_slice %arg3[%dma_wait3A_85, %dma_wait3A_86] : memref<2304x64xf32, #tpu.memory_space<hbm>> -> memref<1x64xf32, #tpu.memory_space<hbm>>
      %dma_wait3A_88 = tpu.memref_squeeze %dma_wait3A_87 : memref<1x64xf32, #tpu.memory_space<hbm>> -> memref<64xf32, #tpu.memory_space<hbm>>
      %dma_wait3A_89 = arith.constant 0 : i32
      %dma_wait3A_90 = tpu.memref_slice %arg1[%dma_wait3A_84, %dma_wait3A_89] : memref<100001x64xf32, #tpu.memory_space<hbm>> -> memref<1x64xf32, #tpu.memory_space<hbm>>
      %dma_wait3A_91 = tpu.memref_squeeze %dma_wait3A_90 : memref<1x64xf32, #tpu.memory_space<hbm>> -> memref<64xf32, #tpu.memory_space<hbm>>
      tpu.wait_dma2 semaphore(%arg6 : memref<!tpu.dma_semaphore, #tpu.memory_space<semaphore_mem>>) src(%dma_wait3A_91 : memref<64xf32, #tpu.memory_space<hbm>>) dst(%dma_wait3A_88 : memref<64xf32, #tpu.memory_space<hbm>>)
      %scan3A_92 = arith.constant 6 : i32
      %scan3A_93 = arith.addi %scan3A_10, %scan3A_92 : i32
      %mul3A_94 = arith.constant 1 : i32
      %mul3A_95 = arith.muli %scan3A_93, %mul3A_94 : i32
      %add3A_96 = arith.constant 0 : i32
      %add3A_97 = arith.addi %add3A_96, %mul3A_95 : i32
      %dma_wait3A_98 = arith.constant 0 : i32
      %dma_wait3A_99 = arith.constant 0 : i32
      %dma_wait3A_100 = arith.constant 0 : i32
      %dma_wait3A_101 = tpu.memref_slice %arg3[%dma_wait3A_99, %dma_wait3A_100] : memref<2304x64xf32, #tpu.memory_space<hbm>> -> memref<1x64xf32, #tpu.memory_space<hbm>>
      %dma_wait3A_102 = tpu.memref_squeeze %dma_wait3A_101 : memref<1x64xf32, #tpu.memory_space<hbm>> -> memref<64xf32, #tpu.memory_space<hbm>>
      %dma_wait3A_103 = arith.constant 0 : i32
      %dma_wait3A_104 = tpu.memref_slice %arg1[%dma_wait3A_98, %dma_wait3A_103] : memref<100001x64xf32, #tpu.memory_space<hbm>> -> memref<1x64xf32, #tpu.memory_space<hbm>>
      %dma_wait3A_105 = tpu.memref_squeeze %dma_wait3A_104 : memref<1x64xf32, #tpu.memory_space<hbm>> -> memref<64xf32, #tpu.memory_space<hbm>>
      tpu.wait_dma2 semaphore(%arg6 : memref<!tpu.dma_semaphore, #tpu.memory_space<semaphore_mem>>) src(%dma_wait3A_105 : memref<64xf32, #tpu.memory_space<hbm>>) dst(%dma_wait3A_102 : memref<64xf32, #tpu.memory_space<hbm>>)
      %scan3A_106 = arith.constant 7 : i32
      %scan3A_107 = arith.addi %scan3A_10, %scan3A_106 : i32
      %mul3A_108 = arith.constant 1 : i32
      %mul3A_109 = arith.muli %scan3A_107, %mul3A_108 : i32
      %add3A_110 = arith.constant 0 : i32
      %add3A_111 = arith.addi %add3A_110, %mul3A_109 : i32
      %dma_wait3A_112 = arith.constant 0 : i32
      %dma_wait3A_113 = arith.constant 0 : i32
      %dma_wait3A_114 = arith.constant 0 : i32
      %dma_wait3A_115 = tpu.memref_slice %arg3[%dma_wait3A_113, %dma_wait3A_114] : memref<2304x64xf32, #tpu.memory_space<hbm>> -> memref<1x64xf32, #tpu.memory_space<hbm>>
      %dma_wait3A_116 = tpu.memref_squeeze %dma_wait3A_115 : memref<1x64xf32, #tpu.memory_space<hbm>> -> memref<64xf32, #tpu.memory_space<hbm>>
      %dma_wait3A_117 = arith.constant 0 : i32
      %dma_wait3A_118 = tpu.memref_slice %arg1[%dma_wait3A_112, %dma_wait3A_117] : memref<100001x64xf32, #tpu.memory_space<hbm>> -> memref<1x64xf32, #tpu.memory_space<hbm>>
      %dma_wait3A_119 = tpu.memref_squeeze %dma_wait3A_118 : memref<1x64xf32, #tpu.memory_space<hbm>> -> memref<64xf32, #tpu.memory_space<hbm>>
      tpu.wait_dma2 semaphore(%arg6 : memref<!tpu.dma_semaphore, #tpu.memory_space<semaphore_mem>>) src(%dma_wait3A_119 : memref<64xf32, #tpu.memory_space<hbm>>) dst(%dma_wait3A_116 : memref<64xf32, #tpu.memory_space<hbm>>)
    }
    %scan3A_9 = arith.constant 1152 : i32
    return
  }
}

module attributes {stable_mosaic.version = 14 : i64} {
  func.func @_dense_body(%arg0: memref<1024x128xf32, #tpu.memory_space<vmem>>, %arg1: memref<64x128xf32, #tpu.memory_space<vmem>>, %arg2: memref<256x128xf32, #tpu.memory_space<vmem>>, %arg3: memref<1x256xf32, #tpu.memory_space<vmem>>, %arg4: memref<128x256xf32, #tpu.memory_space<vmem>>, %arg5: memref<1x128xf32, #tpu.memory_space<vmem>>, %arg6: memref<1x128xf32, #tpu.memory_space<vmem>>, %arg7: memref<1x128xf32, #tpu.memory_space<vmem>>, %arg8: memref<1024x128xf32, #tpu.memory_space<vmem>>, %arg9: memref<1024x256xf32, #tpu.memory_space<vmem>>, %arg10: memref<1x1024xf32, #tpu.memory_space<vmem>>, %arg11: memref<1x1024xf32, #tpu.memory_space<vmem>>, %arg12: memref<1024x64xf32, #tpu.memory_space<vmem>>) attributes {dimension_semantics = [], scalar_prefetch = 0 : i64, scratch_operands = 0 : i64, tpu.core_type = #tpu.core_type<tc>} {
    %get3A = arith.constant 0 : index
    %get3A_0 = arith.constant 0 : index
    %get3A_1 = vector.load %arg0[%get3A, %get3A_0] : memref<1024x128xf32, #tpu.memory_space<vmem>>, vector<1024x128xf32>
    %get3A_2 = arith.constant 0 : index
    %get3A_3 = arith.constant 0 : index
    %get3A_4 = vector.load %arg1[%get3A_2, %get3A_3] : memref<64x128xf32, #tpu.memory_space<vmem>>, vector<64x128xf32>
    %get3A_5 = arith.constant 0 : index
    %get3A_6 = arith.constant 0 : index
    %get3A_7 = vector.load %arg2[%get3A_5, %get3A_6] : memref<256x128xf32, #tpu.memory_space<vmem>>, vector<256x128xf32>
    %dot_general3A = arith.constant dense<0.000000e+00> : vector<64x256xf32>
    %dot_general3A_8 = tpu.matmul %get3A_4, %get3A_7, %dot_general3A {dimension_numbers = #tpu.dot_dimension_numbers<[1], [1], [0], [0], [0, 0, 1, 0], [], []>, transpose_lhs_hint = false} : vector<64x128xf32>, vector<256x128xf32>, vector<64x256xf32> -> vector<64x256xf32>
    %get3A_9 = arith.constant 0 : index
    %get3A_10 = arith.constant 0 : index
    %get3A_11 = vector.load %arg3[%get3A_9, %get3A_10] : memref<1x256xf32, #tpu.memory_space<vmem>>, vector<1x256xf32>
    %add3A = vector.broadcast %get3A_11 : vector<1x256xf32> to vector<64x256xf32>
    %add3A_12 = arith.addf %dot_general3A_8, %add3A : vector<64x256xf32>
    %max3A = arith.constant 0.000000e+00 : f32
    %max3A_13 = vector.broadcast %max3A : f32 to vector<64x256xf32>
    %max3A_14 = arith.maximumf %add3A_12, %max3A_13 : vector<64x256xf32>
    %get3A_15 = arith.constant 0 : index
    %get3A_16 = arith.constant 0 : index
    %get3A_17 = vector.load %arg4[%get3A_15, %get3A_16] : memref<128x256xf32, #tpu.memory_space<vmem>>, vector<128x256xf32>
    %dot_general3A_18 = arith.constant dense<0.000000e+00> : vector<64x128xf32>
    %dot_general3A_19 = tpu.matmul %max3A_14, %get3A_17, %dot_general3A_18 {dimension_numbers = #tpu.dot_dimension_numbers<[1], [1], [0], [0], [0, 0, 1, 0], [], []>, transpose_lhs_hint = false} : vector<64x256xf32>, vector<128x256xf32>, vector<64x128xf32> -> vector<64x128xf32>
    %get3A_20 = arith.constant 0 : index
    %get3A_21 = arith.constant 0 : index
    %get3A_22 = vector.load %arg5[%get3A_20, %get3A_21] : memref<1x128xf32, #tpu.memory_space<vmem>>, vector<1x128xf32>
    %add3A_23 = vector.broadcast %get3A_22 : vector<1x128xf32> to vector<64x128xf32>
    %add3A_24 = arith.addf %dot_general3A_19, %add3A_23 : vector<64x128xf32>
    %add3A_25 = arith.addf %add3A_24, %get3A_4 : vector<64x128xf32>
    %reduce_sum3A = arith.constant dense<0.000000e+00> : vector<64xf32>
    %reduce_sum3A_26 = vector.multi_reduction <add>, %add3A_25, %reduce_sum3A [1] : vector<64x128xf32> to vector<64xf32>
    %broadcast_in_dim3A = vector.shape_cast %reduce_sum3A_26 : vector<64xf32> to vector<64x1xf32>
    %div3A = arith.constant 1.280000e+02 : f32
    %div3A_27 = vector.broadcast %div3A : f32 to vector<64x1xf32>
    %div3A_28 = arith.divf %broadcast_in_dim3A, %div3A_27 : vector<64x1xf32>
    %sub3A = vector.broadcast %div3A_28 : vector<64x1xf32> to vector<64x128xf32>
    %sub3A_29 = arith.subf %add3A_25, %sub3A : vector<64x128xf32>
    %sub3A_30 = vector.broadcast %div3A_28 : vector<64x1xf32> to vector<64x128xf32>
    %sub3A_31 = arith.subf %add3A_25, %sub3A_30 : vector<64x128xf32>
    %mul3A = arith.mulf %sub3A_29, %sub3A_31 : vector<64x128xf32>
    %reduce_sum3A_32 = arith.constant dense<0.000000e+00> : vector<64xf32>
    %reduce_sum3A_33 = vector.multi_reduction <add>, %mul3A, %reduce_sum3A_32 [1] : vector<64x128xf32> to vector<64xf32>
    %broadcast_in_dim3A_34 = vector.shape_cast %reduce_sum3A_33 : vector<64xf32> to vector<64x1xf32>
    %div3A_35 = arith.constant 1.280000e+02 : f32
    %div3A_36 = vector.broadcast %div3A_35 : f32 to vector<64x1xf32>
    %div3A_37 = arith.divf %broadcast_in_dim3A_34, %div3A_36 : vector<64x1xf32>
    %get3A_38 = arith.constant 0 : index
    %get3A_39 = arith.constant 0 : index
    %get3A_40 = vector.load %arg6[%get3A_38, %get3A_39] : memref<1x128xf32, #tpu.memory_space<vmem>>, vector<1x128xf32>
    %sub3A_41 = vector.broadcast %div3A_28 : vector<64x1xf32> to vector<64x128xf32>
    %sub3A_42 = arith.subf %add3A_25, %sub3A_41 : vector<64x128xf32>
    %mul3A_43 = vector.broadcast %get3A_40 : vector<1x128xf32> to vector<64x128xf32>
    %mul3A_44 = arith.mulf %mul3A_43, %sub3A_42 : vector<64x128xf32>
    %add3A_45 = arith.constant 9.99999974E-6 : f32
    %add3A_46 = vector.broadcast %add3A_45 : f32 to vector<64x1xf32>
    %add3A_47 = arith.addf %div3A_37, %add3A_46 : vector<64x1xf32>
    %rsqrt3A = math.rsqrt %add3A_47 : vector<64x1xf32>
    %mul3A_48 = vector.broadcast %rsqrt3A : vector<64x1xf32> to vector<64x128xf32>
    %mul3A_49 = arith.mulf %mul3A_44, %mul3A_48 : vector<64x128xf32>
    %get3A_50 = arith.constant 0 : index
    %get3A_51 = arith.constant 0 : index
    %get3A_52 = vector.load %arg7[%get3A_50, %get3A_51] : memref<1x128xf32, #tpu.memory_space<vmem>>, vector<1x128xf32>
    %add3A_53 = vector.broadcast %get3A_52 : vector<1x128xf32> to vector<64x128xf32>
    %add3A_54 = arith.addf %mul3A_49, %add3A_53 : vector<64x128xf32>
    %get3A_55 = arith.constant 0 : index
    %get3A_56 = arith.constant 0 : index
    %get3A_57 = vector.load %arg8[%get3A_55, %get3A_56] : memref<1024x128xf32, #tpu.memory_space<vmem>>, vector<1024x128xf32>
    %dot_general3A_58 = arith.constant dense<0.000000e+00> : vector<1024x1024xf32>
    %dot_general3A_59 = tpu.matmul %get3A_1, %get3A_57, %dot_general3A_58 {dimension_numbers = #tpu.dot_dimension_numbers<[1], [1], [0], [0], [0, 0, 1, 0], [], []>, transpose_lhs_hint = false} : vector<1024x128xf32>, vector<1024x128xf32>, vector<1024x1024xf32> -> vector<1024x1024xf32>
    %get3A_60 = arith.constant 0 : index
    %get3A_61 = arith.constant 0 : index
    %get3A_62 = vector.load %arg10[%get3A_60, %get3A_61] : memref<1x1024xf32, #tpu.memory_space<vmem>>, vector<1x1024xf32>
    %add3A_63 = vector.broadcast %get3A_62 : vector<1x1024xf32> to vector<1024x1024xf32>
    %add3A_64 = arith.addf %dot_general3A_59, %add3A_63 : vector<1024x1024xf32>
    %get3A_65 = arith.constant 0 : index
    %get3A_66 = arith.constant 0 : index
    %get3A_67 = vector.load %arg11[%get3A_65, %get3A_66] : memref<1x1024xf32, #tpu.memory_space<vmem>>, vector<1x1024xf32>
    %add3A_68 = vector.broadcast %get3A_67 : vector<1x1024xf32> to vector<1024x1024xf32>
    %add3A_69 = arith.addf %add3A_64, %add3A_68 : vector<1024x1024xf32>
    %broadcast_in_dim3A_70 = arith.constant 0.000000e+00 : f32
    %broadcast_in_dim3A_71 = vector.broadcast %broadcast_in_dim3A_70 : f32 to vector<1024x256xf32>
    %broadcast_in_dim3A_72 = arith.constant 0.000000e+00 : f32
    %broadcast_in_dim3A_73 = vector.broadcast %broadcast_in_dim3A_72 : f32 to vector<1024x256xf32>
    %get3A_74 = arith.constant 0 : index
    %get3A_75 = arith.constant 0 : index
    %get3A_76 = vector.load %arg9[%get3A_74, %get3A_75] : memref<1024x256xf32, #tpu.memory_space<vmem>>, vector<1024x256xf32>
    %dot_general3A_77 = arith.constant dense<0.000000e+00> : vector<1024x1024xf32>
    %dot_general3A_78 = tpu.matmul %broadcast_in_dim3A_71, %get3A_76, %dot_general3A_77 {dimension_numbers = #tpu.dot_dimension_numbers<[1], [1], [0], [0], [0, 0, 1, 0], [], []>, transpose_lhs_hint = false} : vector<1024x256xf32>, vector<1024x256xf32>, vector<1024x1024xf32> -> vector<1024x1024xf32>
    %add3A_79 = arith.addf %add3A_69, %dot_general3A_78 : vector<1024x1024xf32>
    %slice3A = vector.extract_strided_slice %add3A_79 {offsets = [0, 0], sizes = [1024, 256], strides = [1, 1]} : vector<1024x1024xf32> to vector<1024x256xf32>
    %logistic3A = arith.negf %slice3A : vector<1024x256xf32>
    %logistic3A_80 = math.exp %logistic3A : vector<1024x256xf32>
    %logistic3A_81 = arith.constant 1.000000e+00 : f32
    %logistic3A_82 = vector.broadcast %logistic3A_81 : f32 to vector<1024x256xf32>
    %logistic3A_83 = arith.addf %logistic3A_82, %logistic3A_80 : vector<1024x256xf32>
    %logistic3A_84 = arith.divf %logistic3A_82, %logistic3A_83 : vector<1024x256xf32>
    %slice3A_85 = vector.extract_strided_slice %add3A_79 {offsets = [0, 256], sizes = [1024, 256], strides = [1, 1]} : vector<1024x1024xf32> to vector<1024x256xf32>
    %logistic3A_86 = arith.negf %slice3A_85 : vector<1024x256xf32>
    %logistic3A_87 = math.exp %logistic3A_86 : vector<1024x256xf32>
    %logistic3A_88 = arith.constant 1.000000e+00 : f32
    %logistic3A_89 = vector.broadcast %logistic3A_88 : f32 to vector<1024x256xf32>
    %logistic3A_90 = arith.addf %logistic3A_89, %logistic3A_87 : vector<1024x256xf32>
    %logistic3A_91 = arith.divf %logistic3A_89, %logistic3A_90 : vector<1024x256xf32>
    %slice3A_92 = vector.extract_strided_slice %add3A_79 {offsets = [0, 512], sizes = [1024, 256], strides = [1, 1]} : vector<1024x1024xf32> to vector<1024x256xf32>
    %tanh3A = math.tanh %slice3A_92 : vector<1024x256xf32>
    %slice3A_93 = vector.extract_strided_slice %add3A_79 {offsets = [0, 768], sizes = [1024, 256], strides = [1, 1]} : vector<1024x1024xf32> to vector<1024x256xf32>
    %logistic3A_94 = arith.negf %slice3A_93 : vector<1024x256xf32>
    %logistic3A_95 = math.exp %logistic3A_94 : vector<1024x256xf32>
    %logistic3A_96 = arith.constant 1.000000e+00 : f32
    %logistic3A_97 = vector.broadcast %logistic3A_96 : f32 to vector<1024x256xf32>
    %logistic3A_98 = arith.addf %logistic3A_97, %logistic3A_95 : vector<1024x256xf32>
    %logistic3A_99 = arith.divf %logistic3A_97, %logistic3A_98 : vector<1024x256xf32>
    %mul3A_100 = arith.mulf %logistic3A_91, %broadcast_in_dim3A_73 : vector<1024x256xf32>
    %mul3A_101 = arith.mulf %logistic3A_84, %tanh3A : vector<1024x256xf32>
    %add3A_102 = arith.addf %mul3A_100, %mul3A_101 : vector<1024x256xf32>
    %tanh3A_103 = math.tanh %add3A_102 : vector<1024x256xf32>
    %mul3A_104 = arith.mulf %logistic3A_99, %tanh3A_103 : vector<1024x256xf32>
    %slice3A_105 = vector.extract_strided_slice %mul3A_104 {offsets = [0, 0], sizes = [1024, 128], strides = [1, 1]} : vector<1024x256xf32> to vector<1024x128xf32>
    %add3A_106 = arith.addf %get3A_1, %slice3A_105 : vector<1024x128xf32>
    %dot_general3A_107 = arith.constant dense<0.000000e+00> : vector<1024x64xf32>
    %dot_general3A_108 = tpu.matmul %add3A_106, %add3A_54, %dot_general3A_107 {dimension_numbers = #tpu.dot_dimension_numbers<[1], [1], [0], [0], [0, 0, 1, 0], [], []>, transpose_lhs_hint = false} : vector<1024x128xf32>, vector<64x128xf32>, vector<1024x64xf32> -> vector<1024x64xf32>
    %reduce_max3A = arith.constant dense<0xFF800000> : vector<1024xf32>
    %reduce_max3A_109 = vector.multi_reduction <maximumf>, %dot_general3A_108, %reduce_max3A [1] : vector<1024x64xf32> to vector<1024xf32>
    %broadcast_in_dim3A_110 = vector.shape_cast %reduce_max3A_109 : vector<1024xf32> to vector<1024x1xf32>
    %sub3A_111 = vector.broadcast %broadcast_in_dim3A_110 : vector<1024x1xf32> to vector<1024x64xf32>
    %sub3A_112 = arith.subf %dot_general3A_108, %sub3A_111 : vector<1024x64xf32>
    %exp3A = math.exp %sub3A_112 : vector<1024x64xf32>
    %reduce_sum3A_113 = arith.constant dense<0.000000e+00> : vector<1024xf32>
    %reduce_sum3A_114 = vector.multi_reduction <add>, %exp3A, %reduce_sum3A_113 [1] : vector<1024x64xf32> to vector<1024xf32>
    %broadcast_in_dim3A_115 = vector.shape_cast %reduce_sum3A_114 : vector<1024xf32> to vector<1024x1xf32>
    %div3A_116 = vector.broadcast %broadcast_in_dim3A_115 : vector<1024x1xf32> to vector<1024x64xf32>
    %div3A_117 = arith.divf %exp3A, %div3A_116 : vector<1024x64xf32>
    %dot_general3A_118 = arith.constant dense<0.000000e+00> : vector<1024x128xf32>
    %dot_general3A_119 = tpu.matmul %div3A_117, %add3A_54, %dot_general3A_118 {dimension_numbers = #tpu.dot_dimension_numbers<[1], [0], [0], [1], [0, 0, 1, 1], [], []>, transpose_lhs_hint = false} : vector<1024x64xf32>, vector<64x128xf32>, vector<1024x128xf32> -> vector<1024x128xf32>
    %concatenate3A = tpu.concatenate %add3A_106, %dot_general3A_119 in 1 : vector<1024x128xf32>, vector<1024x128xf32> -> vector<1024x256xf32>
    %get3A_120 = arith.constant 0 : index
    %get3A_121 = arith.constant 0 : index
    %get3A_122 = vector.load %arg9[%get3A_120, %get3A_121] : memref<1024x256xf32, #tpu.memory_space<vmem>>, vector<1024x256xf32>
    %dot_general3A_123 = arith.constant dense<0.000000e+00> : vector<1024x1024xf32>
    %dot_general3A_124 = tpu.matmul %concatenate3A, %get3A_122, %dot_general3A_123 {dimension_numbers = #tpu.dot_dimension_numbers<[1], [1], [0], [0], [0, 0, 1, 0], [], []>, transpose_lhs_hint = false} : vector<1024x256xf32>, vector<1024x256xf32>, vector<1024x1024xf32> -> vector<1024x1024xf32>
    %add3A_125 = arith.addf %add3A_69, %dot_general3A_124 : vector<1024x1024xf32>
    %slice3A_126 = vector.extract_strided_slice %add3A_125 {offsets = [0, 0], sizes = [1024, 256], strides = [1, 1]} : vector<1024x1024xf32> to vector<1024x256xf32>
    %logistic3A_127 = arith.negf %slice3A_126 : vector<1024x256xf32>
    %logistic3A_128 = math.exp %logistic3A_127 : vector<1024x256xf32>
    %logistic3A_129 = arith.constant 1.000000e+00 : f32
    %logistic3A_130 = vector.broadcast %logistic3A_129 : f32 to vector<1024x256xf32>
    %logistic3A_131 = arith.addf %logistic3A_130, %logistic3A_128 : vector<1024x256xf32>
    %logistic3A_132 = arith.divf %logistic3A_130, %logistic3A_131 : vector<1024x256xf32>
    %slice3A_133 = vector.extract_strided_slice %add3A_125 {offsets = [0, 256], sizes = [1024, 256], strides = [1, 1]} : vector<1024x1024xf32> to vector<1024x256xf32>
    %logistic3A_134 = arith.negf %slice3A_133 : vector<1024x256xf32>
    %logistic3A_135 = math.exp %logistic3A_134 : vector<1024x256xf32>
    %logistic3A_136 = arith.constant 1.000000e+00 : f32
    %logistic3A_137 = vector.broadcast %logistic3A_136 : f32 to vector<1024x256xf32>
    %logistic3A_138 = arith.addf %logistic3A_137, %logistic3A_135 : vector<1024x256xf32>
    %logistic3A_139 = arith.divf %logistic3A_137, %logistic3A_138 : vector<1024x256xf32>
    %slice3A_140 = vector.extract_strided_slice %add3A_125 {offsets = [0, 512], sizes = [1024, 256], strides = [1, 1]} : vector<1024x1024xf32> to vector<1024x256xf32>
    %tanh3A_141 = math.tanh %slice3A_140 : vector<1024x256xf32>
    %slice3A_142 = vector.extract_strided_slice %add3A_125 {offsets = [0, 768], sizes = [1024, 256], strides = [1, 1]} : vector<1024x1024xf32> to vector<1024x256xf32>
    %logistic3A_143 = arith.negf %slice3A_142 : vector<1024x256xf32>
    %logistic3A_144 = math.exp %logistic3A_143 : vector<1024x256xf32>
    %logistic3A_145 = arith.constant 1.000000e+00 : f32
    %logistic3A_146 = vector.broadcast %logistic3A_145 : f32 to vector<1024x256xf32>
    %logistic3A_147 = arith.addf %logistic3A_146, %logistic3A_144 : vector<1024x256xf32>
    %logistic3A_148 = arith.divf %logistic3A_146, %logistic3A_147 : vector<1024x256xf32>
    %mul3A_149 = arith.mulf %logistic3A_139, %add3A_102 : vector<1024x256xf32>
    %mul3A_150 = arith.mulf %logistic3A_132, %tanh3A_141 : vector<1024x256xf32>
    %add3A_151 = arith.addf %mul3A_149, %mul3A_150 : vector<1024x256xf32>
    %tanh3A_152 = math.tanh %add3A_151 : vector<1024x256xf32>
    %mul3A_153 = arith.mulf %logistic3A_148, %tanh3A_152 : vector<1024x256xf32>
    %slice3A_154 = vector.extract_strided_slice %mul3A_153 {offsets = [0, 0], sizes = [1024, 128], strides = [1, 1]} : vector<1024x256xf32> to vector<1024x128xf32>
    %add3A_155 = arith.addf %get3A_1, %slice3A_154 : vector<1024x128xf32>
    %dot_general3A_156 = arith.constant dense<0.000000e+00> : vector<1024x64xf32>
    %dot_general3A_157 = tpu.matmul %add3A_155, %add3A_54, %dot_general3A_156 {dimension_numbers = #tpu.dot_dimension_numbers<[1], [1], [0], [0], [0, 0, 1, 0], [], []>, transpose_lhs_hint = false} : vector<1024x128xf32>, vector<64x128xf32>, vector<1024x64xf32> -> vector<1024x64xf32>
    %reduce_max3A_158 = arith.constant dense<0xFF800000> : vector<1024xf32>
    %reduce_max3A_159 = vector.multi_reduction <maximumf>, %dot_general3A_157, %reduce_max3A_158 [1] : vector<1024x64xf32> to vector<1024xf32>
    %broadcast_in_dim3A_160 = vector.shape_cast %reduce_max3A_159 : vector<1024xf32> to vector<1024x1xf32>
    %sub3A_161 = vector.broadcast %broadcast_in_dim3A_160 : vector<1024x1xf32> to vector<1024x64xf32>
    %sub3A_162 = arith.subf %dot_general3A_157, %sub3A_161 : vector<1024x64xf32>
    %exp3A_163 = math.exp %sub3A_162 : vector<1024x64xf32>
    %reduce_sum3A_164 = arith.constant dense<0.000000e+00> : vector<1024xf32>
    %reduce_sum3A_165 = vector.multi_reduction <add>, %exp3A_163, %reduce_sum3A_164 [1] : vector<1024x64xf32> to vector<1024xf32>
    %broadcast_in_dim3A_166 = vector.shape_cast %reduce_sum3A_165 : vector<1024xf32> to vector<1024x1xf32>
    %div3A_167 = vector.broadcast %broadcast_in_dim3A_166 : vector<1024x1xf32> to vector<1024x64xf32>
    %div3A_168 = arith.divf %exp3A_163, %div3A_167 : vector<1024x64xf32>
    %dot_general3A_169 = arith.constant dense<0.000000e+00> : vector<1024x128xf32>
    %dot_general3A_170 = tpu.matmul %div3A_168, %add3A_54, %dot_general3A_169 {dimension_numbers = #tpu.dot_dimension_numbers<[1], [0], [0], [1], [0, 0, 1, 1], [], []>, transpose_lhs_hint = false} : vector<1024x64xf32>, vector<64x128xf32>, vector<1024x128xf32> -> vector<1024x128xf32>
    %concatenate3A_171 = tpu.concatenate %add3A_155, %dot_general3A_170 in 1 : vector<1024x128xf32>, vector<1024x128xf32> -> vector<1024x256xf32>
    %get3A_172 = arith.constant 0 : index
    %get3A_173 = arith.constant 0 : index
    %get3A_174 = vector.load %arg9[%get3A_172, %get3A_173] : memref<1024x256xf32, #tpu.memory_space<vmem>>, vector<1024x256xf32>
    %dot_general3A_175 = arith.constant dense<0.000000e+00> : vector<1024x1024xf32>
    %dot_general3A_176 = tpu.matmul %concatenate3A_171, %get3A_174, %dot_general3A_175 {dimension_numbers = #tpu.dot_dimension_numbers<[1], [1], [0], [0], [0, 0, 1, 0], [], []>, transpose_lhs_hint = false} : vector<1024x256xf32>, vector<1024x256xf32>, vector<1024x1024xf32> -> vector<1024x1024xf32>
    %add3A_177 = arith.addf %add3A_69, %dot_general3A_176 : vector<1024x1024xf32>
    %slice3A_178 = vector.extract_strided_slice %add3A_177 {offsets = [0, 0], sizes = [1024, 256], strides = [1, 1]} : vector<1024x1024xf32> to vector<1024x256xf32>
    %logistic3A_179 = arith.negf %slice3A_178 : vector<1024x256xf32>
    %logistic3A_180 = math.exp %logistic3A_179 : vector<1024x256xf32>
    %logistic3A_181 = arith.constant 1.000000e+00 : f32
    %logistic3A_182 = vector.broadcast %logistic3A_181 : f32 to vector<1024x256xf32>
    %logistic3A_183 = arith.addf %logistic3A_182, %logistic3A_180 : vector<1024x256xf32>
    %logistic3A_184 = arith.divf %logistic3A_182, %logistic3A_183 : vector<1024x256xf32>
    %slice3A_185 = vector.extract_strided_slice %add3A_177 {offsets = [0, 256], sizes = [1024, 256], strides = [1, 1]} : vector<1024x1024xf32> to vector<1024x256xf32>
    %logistic3A_186 = arith.negf %slice3A_185 : vector<1024x256xf32>
    %logistic3A_187 = math.exp %logistic3A_186 : vector<1024x256xf32>
    %logistic3A_188 = arith.constant 1.000000e+00 : f32
    %logistic3A_189 = vector.broadcast %logistic3A_188 : f32 to vector<1024x256xf32>
    %logistic3A_190 = arith.addf %logistic3A_189, %logistic3A_187 : vector<1024x256xf32>
    %logistic3A_191 = arith.divf %logistic3A_189, %logistic3A_190 : vector<1024x256xf32>
    %slice3A_192 = vector.extract_strided_slice %add3A_177 {offsets = [0, 512], sizes = [1024, 256], strides = [1, 1]} : vector<1024x1024xf32> to vector<1024x256xf32>
    %tanh3A_193 = math.tanh %slice3A_192 : vector<1024x256xf32>
    %slice3A_194 = vector.extract_strided_slice %add3A_177 {offsets = [0, 768], sizes = [1024, 256], strides = [1, 1]} : vector<1024x1024xf32> to vector<1024x256xf32>
    %logistic3A_195 = arith.negf %slice3A_194 : vector<1024x256xf32>
    %logistic3A_196 = math.exp %logistic3A_195 : vector<1024x256xf32>
    %logistic3A_197 = arith.constant 1.000000e+00 : f32
    %logistic3A_198 = vector.broadcast %logistic3A_197 : f32 to vector<1024x256xf32>
    %logistic3A_199 = arith.addf %logistic3A_198, %logistic3A_196 : vector<1024x256xf32>
    %logistic3A_200 = arith.divf %logistic3A_198, %logistic3A_199 : vector<1024x256xf32>
    %mul3A_201 = arith.mulf %logistic3A_191, %add3A_151 : vector<1024x256xf32>
    %mul3A_202 = arith.mulf %logistic3A_184, %tanh3A_193 : vector<1024x256xf32>
    %add3A_203 = arith.addf %mul3A_201, %mul3A_202 : vector<1024x256xf32>
    %tanh3A_204 = math.tanh %add3A_203 : vector<1024x256xf32>
    %mul3A_205 = arith.mulf %logistic3A_200, %tanh3A_204 : vector<1024x256xf32>
    %slice3A_206 = vector.extract_strided_slice %mul3A_205 {offsets = [0, 0], sizes = [1024, 128], strides = [1, 1]} : vector<1024x256xf32> to vector<1024x128xf32>
    %add3A_207 = arith.addf %get3A_1, %slice3A_206 : vector<1024x128xf32>
    %dot_general3A_208 = arith.constant dense<0.000000e+00> : vector<1024x64xf32>
    %dot_general3A_209 = tpu.matmul %add3A_207, %add3A_54, %dot_general3A_208 {dimension_numbers = #tpu.dot_dimension_numbers<[1], [1], [0], [0], [0, 0, 1, 0], [], []>, transpose_lhs_hint = false} : vector<1024x128xf32>, vector<64x128xf32>, vector<1024x64xf32> -> vector<1024x64xf32>
    %reduce_max3A_210 = arith.constant dense<0xFF800000> : vector<1024xf32>
    %reduce_max3A_211 = vector.multi_reduction <maximumf>, %dot_general3A_209, %reduce_max3A_210 [1] : vector<1024x64xf32> to vector<1024xf32>
    %broadcast_in_dim3A_212 = vector.shape_cast %reduce_max3A_211 : vector<1024xf32> to vector<1024x1xf32>
    %sub3A_213 = vector.broadcast %broadcast_in_dim3A_212 : vector<1024x1xf32> to vector<1024x64xf32>
    %sub3A_214 = arith.subf %dot_general3A_209, %sub3A_213 : vector<1024x64xf32>
    %exp3A_215 = math.exp %sub3A_214 : vector<1024x64xf32>
    %reduce_sum3A_216 = arith.constant dense<0.000000e+00> : vector<1024xf32>
    %reduce_sum3A_217 = vector.multi_reduction <add>, %exp3A_215, %reduce_sum3A_216 [1] : vector<1024x64xf32> to vector<1024xf32>
    %broadcast_in_dim3A_218 = vector.shape_cast %reduce_sum3A_217 : vector<1024xf32> to vector<1024x1xf32>
    %div3A_219 = vector.broadcast %broadcast_in_dim3A_218 : vector<1024x1xf32> to vector<1024x64xf32>
    %div3A_220 = arith.divf %exp3A_215, %div3A_219 : vector<1024x64xf32>
    %dot_general3A_221 = arith.constant dense<0.000000e+00> : vector<1024x128xf32>
    %dot_general3A_222 = tpu.matmul %div3A_220, %add3A_54, %dot_general3A_221 {dimension_numbers = #tpu.dot_dimension_numbers<[1], [0], [0], [1], [0, 0, 1, 1], [], []>, transpose_lhs_hint = false} : vector<1024x64xf32>, vector<64x128xf32>, vector<1024x128xf32> -> vector<1024x128xf32>
    %concatenate3A_223 = tpu.concatenate %add3A_207, %dot_general3A_222 in 1 : vector<1024x128xf32>, vector<1024x128xf32> -> vector<1024x256xf32>
    %get3A_224 = arith.constant 0 : index
    %get3A_225 = arith.constant 0 : index
    %get3A_226 = vector.load %arg9[%get3A_224, %get3A_225] : memref<1024x256xf32, #tpu.memory_space<vmem>>, vector<1024x256xf32>
    %dot_general3A_227 = arith.constant dense<0.000000e+00> : vector<1024x1024xf32>
    %dot_general3A_228 = tpu.matmul %concatenate3A_223, %get3A_226, %dot_general3A_227 {dimension_numbers = #tpu.dot_dimension_numbers<[1], [1], [0], [0], [0, 0, 1, 0], [], []>, transpose_lhs_hint = false} : vector<1024x256xf32>, vector<1024x256xf32>, vector<1024x1024xf32> -> vector<1024x1024xf32>
    %add3A_229 = arith.addf %add3A_69, %dot_general3A_228 : vector<1024x1024xf32>
    %slice3A_230 = vector.extract_strided_slice %add3A_229 {offsets = [0, 0], sizes = [1024, 256], strides = [1, 1]} : vector<1024x1024xf32> to vector<1024x256xf32>
    %logistic3A_231 = arith.negf %slice3A_230 : vector<1024x256xf32>
    %logistic3A_232 = math.exp %logistic3A_231 : vector<1024x256xf32>
    %logistic3A_233 = arith.constant 1.000000e+00 : f32
    %logistic3A_234 = vector.broadcast %logistic3A_233 : f32 to vector<1024x256xf32>
    %logistic3A_235 = arith.addf %logistic3A_234, %logistic3A_232 : vector<1024x256xf32>
    %logistic3A_236 = arith.divf %logistic3A_234, %logistic3A_235 : vector<1024x256xf32>
    %slice3A_237 = vector.extract_strided_slice %add3A_229 {offsets = [0, 256], sizes = [1024, 256], strides = [1, 1]} : vector<1024x1024xf32> to vector<1024x256xf32>
    %logistic3A_238 = arith.negf %slice3A_237 : vector<1024x256xf32>
    %logistic3A_239 = math.exp %logistic3A_238 : vector<1024x256xf32>
    %logistic3A_240 = arith.constant 1.000000e+00 : f32
    %logistic3A_241 = vector.broadcast %logistic3A_240 : f32 to vector<1024x256xf32>
    %logistic3A_242 = arith.addf %logistic3A_241, %logistic3A_239 : vector<1024x256xf32>
    %logistic3A_243 = arith.divf %logistic3A_241, %logistic3A_242 : vector<1024x256xf32>
    %slice3A_244 = vector.extract_strided_slice %add3A_229 {offsets = [0, 512], sizes = [1024, 256], strides = [1, 1]} : vector<1024x1024xf32> to vector<1024x256xf32>
    %tanh3A_245 = math.tanh %slice3A_244 : vector<1024x256xf32>
    %slice3A_246 = vector.extract_strided_slice %add3A_229 {offsets = [0, 768], sizes = [1024, 256], strides = [1, 1]} : vector<1024x1024xf32> to vector<1024x256xf32>
    %logistic3A_247 = arith.negf %slice3A_246 : vector<1024x256xf32>
    %logistic3A_248 = math.exp %logistic3A_247 : vector<1024x256xf32>
    %logistic3A_249 = arith.constant 1.000000e+00 : f32
    %logistic3A_250 = vector.broadcast %logistic3A_249 : f32 to vector<1024x256xf32>
    %logistic3A_251 = arith.addf %logistic3A_250, %logistic3A_248 : vector<1024x256xf32>
    %logistic3A_252 = arith.divf %logistic3A_250, %logistic3A_251 : vector<1024x256xf32>
    %mul3A_253 = arith.mulf %logistic3A_243, %add3A_203 : vector<1024x256xf32>
    %mul3A_254 = arith.mulf %logistic3A_236, %tanh3A_245 : vector<1024x256xf32>
    %add3A_255 = arith.addf %mul3A_253, %mul3A_254 : vector<1024x256xf32>
    %tanh3A_256 = math.tanh %add3A_255 : vector<1024x256xf32>
    %mul3A_257 = arith.mulf %logistic3A_252, %tanh3A_256 : vector<1024x256xf32>
    %slice3A_258 = vector.extract_strided_slice %mul3A_257 {offsets = [0, 0], sizes = [1024, 128], strides = [1, 1]} : vector<1024x256xf32> to vector<1024x128xf32>
    %add3A_259 = arith.addf %get3A_1, %slice3A_258 : vector<1024x128xf32>
    %dot_general3A_260 = arith.constant dense<0.000000e+00> : vector<1024x64xf32>
    %dot_general3A_261 = tpu.matmul %add3A_259, %add3A_54, %dot_general3A_260 {dimension_numbers = #tpu.dot_dimension_numbers<[1], [1], [0], [0], [0, 0, 1, 0], [], []>, transpose_lhs_hint = false} : vector<1024x128xf32>, vector<64x128xf32>, vector<1024x64xf32> -> vector<1024x64xf32>
    %swap3A = arith.constant 0 : index
    %swap3A_262 = arith.constant 0 : index
    %swap3A_263 = vector.load %arg12[%swap3A, %swap3A_262] : memref<1024x64xf32, #tpu.memory_space<vmem>>, vector<1024x64xf32>
    tpu.vector_store %arg12[%swap3A, %swap3A_262], %dot_general3A_261 {strides = array<i32>} : memref<1024x64xf32, #tpu.memory_space<vmem>>, vector<1024x64xf32>,
    return
  }
}

</mosaic_0001>

<sc_bundles>
// kernel: kernel.4.cloned.1.call-start
scs
__scs_entry_jumppad:
0x0: {  	(pc) =	sbr.rel $0x88, $3  }
0x1: {  	(tag) =	ssettag $0x0;
	lr =	simm.s32 $0x1  }
0x2: {  	[smem:$0x3F94] =	sst lr;
	_ =	strace $0xD0000000  }
0x3: {  	_ = 	snop  }
0x4: {  	_ = 	snop  }
0x5: {  	_ = 	snop  }
0x6: {  	_ = 	snop  }
0x7: {  	_ = 	snop  }
__scs_overlays_trampoline_lowered:
0x8: {  	[smem:$0x3FA3] =	sst s0  }
0x9: {  	[smem:$0x3FA4] =	sst s1  }
0xa: {  	[smem:$0x3FA5] =	sst s2  }
0xb: {  	[smem:$0x3FA6] =	sst s3  }
0xc: {  	[smem:$0x3FA7] =	sst s4  }
0xd: {  	[smem:$0x3FA8] =	sst s5  }
0xe: {  	[smem:$0x3FA9] =	sst s6  }
0xf: {  	[smem:$0x3FAA] =	sst s7  }
0x10: {  	[smem:$0x3FAB] =	sst s8  }
0x11: {  	[smem:$0x3FAC] =	sst s9;
	s0 =	simm.s32 @!p0 $0x0  }
0x12: {  	s1 =	sld [smem:$0x3F92];
	s0 =	simm.s32 @p0 $0x1  }
0x13: {  	[smem:$0x3FAD] =	sst s0;
	s0 =	simm.s32 @!p1 $0x0  }
0x14: {  	s2 =	sld [smem:$0x3F91];
	s0 =	simm.s32 @p1 $0x1  }
0x15: {  	[smem:$0x3FAE] =	sst s0;
	s0 =	simm.s32 @!p2 $0x0  }
0x16: {  	s3 =	sld [smem:$0x3FDB];
	s0 =	simm.s32 @p2 $0x1  }
0x17: {  	s4 =	simm.s32 $0x1BF5;
	[smem:$0x3FB0] =	sst s0  }
0x18: {  	s0 =	sld [smem:$0x3F93];
	_ =	swait.ge [sflag:s4], $0x0  }
0x19: {  	s7 =	sld [smem:$0x3F94]  }
0x1a: {  	s8 =	sadd.s32 $0xFFFFE003, lr  }
0x1b: {  	s9 =	sadd.s32 $0xFFFFFEF7, lr;
	s5 =	simm.s32 $0xFFFFFFFF;
	p2 =	slt.u32 s8, $0xFFFFF086  }
0x1c: {  	p1 =	slt.u32 s9, $0xF7A;
	s5 =	simm.s32 @!p2 $0x0  }
0x1d: {  	s5 =	simm.s32 @p1 $0x1;
	p0 =	seq.s32 s7, s2  }
0x1e: {  	s7 =	smul.u32 @!p0 $0xF7A, s2;
	p2 =	seq.s32 @!p0 s5, $0x0  }
0x1f: {  	s9 =	smul.u32 $0xF7A, s1;
	s8 =	simm.s32 @!p0 $0x1BF5;
	p2 =	por !p2, p0  }
0x20: {  	[sflag:s8] =	ssyncset.s32 @!p0 $0xFFFFF086;
	s6 =	sadd.s32 @!p0 s3, s7;
	s7 =	simm.s32 @!p0 $0x108  }
0x21: {  	s3 =	sadd.s32 s3, s9;
	s6 =	sadd.s32 @!p0 $0x88, s6;
	s7 =	simm.s32 @p2 $0x1082  }
0x22: {  	[simem:s7], [sflag:s8] =	dma.local @!p0 [hbm:s6], $0xF7A  }
0x23: {  	s9 =	sor.u32 $0xD0000000, s2;
	s6 =	simm.s32 $0x108;
	_ =	swait.ge @!p0 [sflag:s8], $0x0  }
0x24: {  	s3 =	sadd.s32 $0x88, s3;
	s6 =	simm.s32 @!p1 $0x1082;
	[sflag:s4] =	ssyncset.s32 $0xFFFFF086  }
0x25: {  	[simem:s6], [sflag:s4] =	dma.local [hbm:s3], $0xF7A  }
0x26: {  	[smem:$0x3F94] =	sst s1;
	(tag) =	ssettag s2;
	_ =	strace s9  }
0x27: {  	s1 =	sld [smem:$0x3FA4]  }
0x28: {  	s2 =	sld [smem:$0x3FA5]  }
0x29: {  	s4 =	sld [smem:$0x3FA7]  }
0x2a: {  	p0 =	seq.s32 s5, $0x0;
	s5 =	sld [smem:$0x3FA8]  }
0x2b: {  	s6 =	sld [smem:$0x3FA9]  }
0x2c: {  	s7 =	sld [smem:$0x3FAA]  }
0x2d: {  	s3 =	simm.s32 $0x108;
	s8 =	sld [smem:$0x3FAB]  }
0x2e: {  	s3 =	simm.s32 @!p0 $0x1082;
	s9 =	sld [smem:$0x3FAC]  }
0x2f: {  	lr =	sadd.s32 s0, s3;
	s0 =	sld [smem:$0x3FA3]  }
0x30: {  	s3 =	sld [smem:$0x3FA6]  }
0x31: {  	[smem:$0x3FAF] =	sst s10  }
0x32: {  	s10 =	sld [smem:$0x3FAD];
	_ =	sdelay $0x3  }
0x33: {  	p0 =	seq.s32 s10, $0x1;
	s10 =	sld [smem:$0x3FAF];
	_ =	sdelay $0x3  }
0x34: {  	[smem:$0x3FAF] =	sst s10  }
0x35: {  	s10 =	sld [smem:$0x3FAE];
	_ =	sdelay $0x3  }
0x36: {  	p1 =	seq.s32 s10, $0x1;
	s10 =	sld [smem:$0x3FAF];
	_ =	sdelay $0x3  }
0x37: {  	[smem:$0x3FAF] =	sst s10  }
0x38: {  	s10 =	sld [smem:$0x3FB0]  }
0x39: {  	_ = 	snop;
	(pc) =	sbr.ind lr, $3  }
0x3a: {  	_ = 	snop  }
0x3b: {  	_ = 	snop  }
0x3c: {  	p2 =	seq.s32 s10, $0x1;
	s10 =	sld [smem:$0x3FAF]  }
0x3d: {  	_ =	shalt  }
0x3e: {  	_ =	shalt  }
0x3f: {  	_ =	shalt  }
0x40: {  	_ =	shalt  }
0x41: {  	_ =	shalt  }
0x42: {  	_ =	shalt  }
0x43: {  	_ =	shalt  }
0x44: {  	_ =	shalt  }
0x45: {  	_ =	shalt  }
0x46: {  	_ =	shalt  }
0x47: {  	_ =	shalt  }
0x48: {  	_ =	shalt  }
0x49: {  	_ =	shalt  }
0x4a: {  	_ =	shalt  }
0x4b: {  	_ =	shalt  }
0x4c: {  	_ =	shalt  }
0x4d: {  	_ =	shalt  }
0x4e: {  	_ =	shalt  }
0x4f: {  	_ =	shalt  }
0x50: {  	_ =	shalt  }
0x51: {  	_ =	shalt  }
0x52: {  	_ =	shalt  }
0x53: {  	_ =	shalt  }
0x54: {  	_ =	shalt  }
0x55: {  	_ =	shalt  }
0x56: {  	_ =	shalt  }
0x57: {  	_ =	shalt  }
0x58: {  	_ =	shalt  }
0x59: {  	_ =	shalt  }
0x5a: {  	_ =	shalt  }
0x5b: {  	_ =	shalt  }
0x5c: {  	_ =	shalt  }
0x5d: {  	_ =	shalt  }
0x5e: {  	_ =	shalt  }
0x5f: {  	_ =	shalt  }
0x60: {  	_ =	shalt  }
0x61: {  	_ =	shalt  }
0x62: {  	_ =	shalt  }
0x63: {  	_ =	shalt  }
0x64: {  	_ =	shalt  }
0x65: {  	_ =	shalt  }
0x66: {  	_ =	shalt  }
0x67: {  	_ =	shalt  }
0x68: {  	_ =	shalt  }
0x69: {  	_ =	shalt  }
0x6a: {  	_ =	shalt  }
0x6b: {  	_ =	shalt  }
0x6c: {  	_ =	shalt  }
0x6d: {  	_ =	shalt  }
0x6e: {  	_ =	shalt  }
0x6f: {  	_ =	shalt  }
0x70: {  	_ =	shalt  }
0x71: {  	_ =	shalt  }
0x72: {  	_ =	shalt  }
0x73: {  	_ =	shalt  }
0x74: {  	_ =	shalt  }
0x75: {  	_ =	shalt  }
0x76: {  	_ =	shalt  }
0x77: {  	_ =	shalt  }
0x78: {  	_ =	shalt  }
0x79: {  	_ =	shalt  }
0x7a: {  	_ =	shalt  }
0x7b: {  	_ =	shalt  }
0x7c: {  	_ =	shalt  }
0x7d: {  	_ =	shalt  }
0x7e: {  	_ =	shalt  }
0x7f: {  	_ =	shalt  }
0x80: {  	_ =	shalt  }
0x81: {  	_ =	shalt  }
0x82: {  	_ =	shalt  }
0x83: {  	_ =	shalt  }
0x84: {  	_ =	shalt  }
0x85: {  	_ =	shalt  }
0x86: {  	_ =	shalt  }
0x87: {  	_ =	shalt  }
.Lfunc_end0:
.L_simem_size_0:
called_computation_lowered:
.L_overlay_start_0:
0x88: {  	s2 =	sld [smem:$0x3FD9]  }
0x89: {  	s3 =	sld [smem:$0x3FFE];
	_ =	sdelay $0x1  }
0x8a: {  	s1 =	srdreg.scid  }
0x8b: {  	s0 =	sand.u32 $0x1, s1  }
0x8c: {  	s17 =	sshll.u32 s0, $0xA;
	s2 =	sadd.s32 s3, s2  }
0x8d: {  	s2 =	sadd.s32 s2, s17  }
0x8e: {  	s18 =	simm.s32 $0x0;
	[smem:$0x3FBB] =	sst s2  }
0x8f: {  	[smem:$0xF] =	sst s18  }
0x90: {  	s2 =	sld [smem:$0x3FD0];
	(tm) =	ssettm $0x1  }
0x91: {  	s19 =	sld [smem:$0x3FFB];
	_ =	sdelay $0x3  }
0x92: {  	_ =	strace s19  }
0x93: {  	s3 =	sld [smem:$0x3FFC];
	_ =	sdelay $0x3  }
0x94: {  	_ =	strace s3  }
0x95: {  	s3 =	sld [smem:$0x3FFD];
	_ =	sdelay $0x3  }
0x96: {  	_ =	strace s3  }
0x97: {  	s20 =	simm.s32 $0x1B8B;
	_ =	strace $0x8FFFFFFF  }
0x98: {  	_ =	swait.ge [sflag:s20], $0x1  }
0x99: {  	[sflag:s20] =	ssyncset.done $0x0  }
0x9a: {  	s4 =	simm.s32 $0x1B8E;
	s22 =	smul.u32 $0x90, s0;
	[sflag:s20] =	ssyncadd.s32 $0xFFFFFFFF  }
0x9b: {  	s23 =	simm.s32 $0x9;
	s5 =	simm.s32 $0x10;
	[smem:$0x3FD2] =	sst s4  }
0x9c: {  	s2 =	sadd.s32 s22, s2;
	s21 =	sld [smem:$0x3FFE];
	_ =	strace $0x80000046  }
0x9d: {  	[smem:s5], [sflag:s23] =	dma.local [hbm:s2], $0x90  }
0x9e: {  	_ =	swait.ge [sflag:s23], $0x90  }
0x9f: {  	[sflag:s23] =	ssyncset.done $0x0  }
0xa0: {  	[sflag:s23] =	ssyncadd.s32 $0xFFFFFF70  }
0xa1: {  	s4 =	sld [smem:$0x10];
	_ =	sdelay $0x1  }
0xa2: {  	s24 =	smul.u32 $0x4800, s0;
	_ =	sdelay $0x1  }
0xa3: {  	s2 =	sadd.s32 $0x1800, s21;
	s3 =	sadd.s32 s24, s21;
	s4 =	sshll.u32 s4, $0x4  }
0xa4: {  	s7 =	sadd.s32 $0x188440, s3;
	s4 =	sand.u32 $0x1FFFFFF0, s4  }
0xa5: {  	s3 =	simm.s32 $0xA;
	s25 =	sadd.s32 $0xFFFFFFC0, s7;
	s4 =	sadd.s32 s2, s4  }
0xa6: {  	[hbm:s25], [sflag:s3] =	dma.local [hbm:s4], $0x10  }
0xa7: {  	s4 =	sld [smem:$0x11];
	_ =	sdelay $0x3  }
0xa8: {  	s4 =	sshll.u32 s4, $0x4  }
0xa9: {  	s4 =	sand.u32 $0x1FFFFFF0, s4  }
0xaa: {  	s26 =	sadd.s32 $0xFFFFFFD0, s7;
	s4 =	sadd.s32 s2, s4  }
0xab: {  	[hbm:s26], [sflag:s3] =	dma.local [hbm:s4], $0x10  }
0xac: {  	s4 =	sld [smem:$0x12];
	_ =	sdelay $0x3  }
0xad: {  	s4 =	sshll.u32 s4, $0x4  }
0xae: {  	s4 =	sand.u32 $0x1FFFFFF0, s4  }
0xaf: {  	s28 =	sadd.s32 $0xFFFFFFE0, s7;
	s4 =	sadd.s32 s2, s4  }
0xb0: {  	[hbm:s28], [sflag:s3] =	dma.local [hbm:s4], $0x10  }
0xb1: {  	s4 =	sld [smem:$0x13];
	_ =	sdelay $0x3  }
0xb2: {  	s4 =	sshll.u32 s4, $0x4  }
0xb3: {  	s4 =	sand.u32 $0x1FFFFFF0, s4  }
0xb4: {  	s29 =	sadd.s32 $0xFFFFFFF0, s7;
	s4 =	sadd.s32 s2, s4  }
0xb5: {  	[hbm:s29], [sflag:s3] =	dma.local [hbm:s4], $0x10  }
0xb6: {  	s4 =	sld [smem:$0x14];
	_ =	sdelay $0x3  }
0xb7: {  	s4 =	sshll.u32 s4, $0x4  }
0xb8: {  	s4 =	sand.u32 $0x1FFFFFF0, s4  }
0xb9: {  	s4 =	sadd.s32 s2, s4  }
0xba: {  	[hbm:s7], [sflag:s3] =	dma.local [hbm:s4], $0x10  }
0xbb: {  	s4 =	sld [smem:$0x15];
	_ =	sdelay $0x3  }
0xbc: {  	s4 =	sshll.u32 s4, $0x4  }
0xbd: {  	s4 =	sand.u32 $0x1FFFFFF0, s4  }
0xbe: {  	s30 =	sadd.s32 $0x10, s7;
	s4 =	sadd.s32 s2, s4  }
0xbf: {  	[hbm:s30], [sflag:s3] =	dma.local [hbm:s4], $0x10  }
0xc0: {  	s4 =	sld [smem:$0x16];
	_ =	sdelay $0x3  }
0xc1: {  	s4 =	sshll.u32 s4, $0x4  }
0xc2: {  	s4 =	sand.u32 $0x1FFFFFF0, s4  }
0xc3: {  	s31 =	sadd.s32 $0x20, s7;
	s4 =	sadd.s32 s2, s4  }
0xc4: {  	[hbm:s31], [sflag:s3] =	dma.local [hbm:s4], $0x10  }
0xc5: {  	s5 =	sld [smem:$0x17];
	_ =	sdelay $0x3  }
0xc6: {  	s8 =	sadd.s32 $0x30, s7;
	s6 =	sshll.u32 s5, $0x4  }
0xc7: {  	s7 =	sadd.s32 $0x80, s7;
	s4 =	simm.s32 $0xFFFFFFF8;
	s9 =	sand.u32 $0x1FFFFFF0, s6  }
0xc8: {  	s5 =	simm.s32 $0x0;
	s6 =	simm.s32 $0x1C;
	s9 =	sadd.s32 s2, s9  }
.LBB1_1:
0xc9: {  	[hbm:s8], [sflag:s3] =	dma.local [hbm:s9], $0x10  }
0xca: {  	s5 =	sadd.s32 $0x8, s5;
	s8 =	sld [smem:s6+$0xFFFFFFFC]  }
0xcb: {  	p0 =	slt.u32 s5, $0x478;
	_ =	sdelay $0x2  }
0xcc: {  	s8 =	sshll.u32 s8, $0x4  }
0xcd: {  	s8 =	sand.u32 $0x1FFFFFF0, s8  }
0xce: {  	s9 =	sadd.s32 $0xFFFFFFC0, s7;
	s8 =	sadd.s32 s2, s8  }
0xcf: {  	[hbm:s9], [sflag:s3] =	dma.local [hbm:s8], $0x10  }
0xd0: {  	s8 =	sld [smem:s6+$0xFFFFFFFD];
	_ =	sdelay $0x3  }
0xd1: {  	s8 =	sshll.u32 s8, $0x4  }
0xd2: {  	s8 =	sand.u32 $0x1FFFFFF0, s8  }
0xd3: {  	s9 =	sadd.s32 $0xFFFFFFD0, s7;
	s8 =	sadd.s32 s2, s8  }
0xd4: {  	[hbm:s9], [sflag:s3] =	dma.local [hbm:s8], $0x10  }
0xd5: {  	s8 =	sld [smem:s6+$0xFFFFFFFE];
	_ =	sdelay $0x3  }
0xd6: {  	s8 =	sshll.u32 s8, $0x4  }
0xd7: {  	s8 =	sand.u32 $0x1FFFFFF0, s8  }
0xd8: {  	s9 =	sadd.s32 $0xFFFFFFE0, s7;
	s8 =	sadd.s32 s2, s8  }
0xd9: {  	[hbm:s9], [sflag:s3] =	dma.local [hbm:s8], $0x10  }
0xda: {  	s8 =	sld [smem:s6+$0xFFFFFFFF];
	_ =	sdelay $0x3  }
0xdb: {  	s8 =	sshll.u32 s8, $0x4  }
0xdc: {  	s8 =	sand.u32 $0x1FFFFFF0, s8  }
0xdd: {  	s9 =	sadd.s32 $0xFFFFFFF0, s7;
	s8 =	sadd.s32 s2, s8  }
0xde: {  	[hbm:s9], [sflag:s3] =	dma.local [hbm:s8], $0x10  }
0xdf: {  	s8 =	sld [smem:s6+$0x0];
	_ =	sdelay $0x3  }
0xe0: {  	s8 =	sshll.u32 s8, $0x4  }
0xe1: {  	s8 =	sand.u32 $0x1FFFFFF0, s8  }
0xe2: {  	s8 =	sadd.s32 s2, s8  }
0xe3: {  	[hbm:s7], [sflag:s3] =	dma.local [hbm:s8], $0x10  }
0xe4: {  	s8 =	sld [smem:s6+$0x1];
	_ =	sdelay $0x3  }
0xe5: {  	s8 =	sshll.u32 s8, $0x4  }
0xe6: {  	s8 =	sand.u32 $0x1FFFFFF0, s8  }
0xe7: {  	s9 =	sadd.s32 $0x10, s7;
	s8 =	sadd.s32 s2, s8  }
0xe8: {  	[hbm:s9], [sflag:s3] =	dma.local [hbm:s8], $0x10  }
0xe9: {  	s8 =	sld [smem:s6+$0x2];
	_ =	sdelay $0x3  }
0xea: {  	s8 =	sshll.u32 s8, $0x4  }
0xeb: {  	s8 =	sand.u32 $0x1FFFFFF0, s8  }
0xec: {  	s9 =	sadd.s32 $0x20, s7;
	s8 =	sadd.s32 s2, s8  }
0xed: {  	[hbm:s9], [sflag:s3] =	dma.local [hbm:s8], $0x10  }
0xee: {  	s8 =	sld [smem:s6+$0x3];
	_ =	sdelay $0x2  }
.Ltmp0:
0xef: {  	(pc) =	sbr.rel @p0 .LBB1_1-.Ltmp0, $3  }
0xf0: {  	s8 =	sshll.u32 s8, $0x4  }
0xf1: {  	s6 =	sadd.s32 $0x8, s6;
	s9 =	sand.u32 $0x1FFFFFF0, s8  }
0xf2: {  	s8 =	sadd.s32 $0x30, s7;
	s7 =	sadd.s32 $0x80, s7;
	s9 =	sadd.s32 s2, s9  }
0xf3: {  	[hbm:s8], [sflag:s3] =	dma.local [hbm:s9], $0x10  }
0xf4: {  	s2 =	simm.s32 $0xA  }
.LBB1_3:
0xf5: {  	_ =	sdelay $0x1  }
0xf6: {  	_ =	swait.ge [sflag:s2], $0x10  }
0xf7: {  	[sflag:s2] =	ssyncset.done $0x0  }
0xf8: {  	[sflag:s2] =	ssyncadd.s32 $0xFFFFFFF0;
	_ =	sdelay $0x2  }
0xf9: {  	_ =	swait.ge [sflag:s2], $0x10  }
0xfa: {  	[sflag:s2] =	ssyncset.done $0x0  }
0xfb: {  	[sflag:s2] =	ssyncadd.s32 $0xFFFFFFF0;
	_ =	sdelay $0x2  }
0xfc: {  	_ =	swait.ge [sflag:s2], $0x10  }
0xfd: {  	[sflag:s2] =	ssyncset.done $0x0  }
0xfe: {  	[sflag:s2] =	ssyncadd.s32 $0xFFFFFFF0;
	_ =	sdelay $0x2  }
0xff: {  	_ =	swait.ge [sflag:s2], $0x10  }
0x100: {  	[sflag:s2] =	ssyncset.done $0x0  }
0x101: {  	[sflag:s2] =	ssyncadd.s32 $0xFFFFFFF0;
	_ =	sdelay $0x2  }
0x102: {  	_ =	swait.ge [sflag:s2], $0x10  }
0x103: {  	[sflag:s2] =	ssyncset.done $0x0  }
0x104: {  	[sflag:s2] =	ssyncadd.s32 $0xFFFFFFF0;
	_ =	sdelay $0x2  }
0x105: {  	_ =	swait.ge [sflag:s2], $0x10  }
0x106: {  	[sflag:s2] =	ssyncset.done $0x0  }
0x107: {  	[sflag:s2] =	ssyncadd.s32 $0xFFFFFFF0;
	_ =	sdelay $0x2  }
0x108: {  	_ =	swait.ge [sflag:s2], $0x10  }
0x109: {  	[sflag:s2] =	ssyncset.done $0x0  }
0x10a: {  	s4 =	sadd.s32 $0x8, s4;
	[sflag:s2] =	ssyncadd.s32 $0xFFFFFFF0  }
0x10b: {  	p0 =	slt.u32 s4, $0x478  }
.Ltmp1:
0x10c: {  	_ = 	snop;
	(pc) =	sbr.rel @p0 .LBB1_3-.Ltmp1, $3  }
0x10d: {  	_ =	swait.ge [sflag:s2], $0x10  }
0x10e: {  	[sflag:s2] =	ssyncset.done $0x0  }
0x10f: {  	[sflag:s2] =	ssyncadd.s32 $0xFFFFFFF0  }
0x110: {  	_ =	strace $0x90000046  }
0x111: {  	_ =	sfence  }
0x112: {  	s2 =	sld [smem:$0x0];
	_ =	sdelay $0x2  }
0x113: {  	s3 =	sshll.u32 s1, $0xD;
	s31 =	sshrl.u32 s1, $0x2  }
0x114: {  	s3 =	sand.u32 $0x4000, s3;
	s1 =	sadd.s32 s31, s2  }
0x115: {  	s0 =	sor.u32 s3, s0;
	s1 =	sshll.u32 s1, $0x11  }
0x116: {  	s0 =	sor.u32 s1, s0  }
0x117: {  	s0 =	sadd.s32 $0x8F2B, s0;
	(pc) =	sbr.abs _section_cstart, $3  }
0x118: {  	[sflag:s0] =	ssyncadd.remote.s32 $0x1  }
0x119: {  	_ =	strace $0x9FFFFFFF  }
0x11a: {  	(tm) =	ssettm $0x7FFFFFFF  }
0x11b: {  	_ =	shalt  }

</sc_bundles>
